<compile_context>
chip_gen: v7x
topology: tpu7x:2x2x1
jax: 0.10.2.dev20260603
libtpu: 0.0.44.dev20260713+nightly
codegen_flags: <defaults>
</compile_context>

<pallas_src>
import functools

import jax
import jax.numpy as jnp
from jax import lax
from jax.experimental import pallas as pl
from jax.experimental.pallas import tpu as pltpu
from jax.experimental.pallas import tpu_sc as plsc

N_NODES = 10000
N_EDGES = 320000
D = 128

NC = 2
NS = 16
NW = NC * NS
COLS = D // NW
L = 16

CH = 8000
N_CH = N_EDGES // CH
GROUPS = CH // L
TILE_W = COLS * N_NODES


@functools.partial(
    pl.kernel,
    out_type=jax.ShapeDtypeStruct((NW * TILE_W,), jnp.float32),
    mesh=plsc.VectorSubcoreMesh(core_axis_name="c", subcore_axis_name="s"),
    compiler_params=pltpu.CompilerParams(needs_layout_passes=False),
    scratch_types=[
        pltpu.VMEM((N_NODES,), jnp.float32),
        pltpu.VMEM((N_NODES,), jnp.float32),
        pltpu.VMEM((N_NODES,), jnp.float32),
        pltpu.VMEM((N_NODES,), jnp.float32),
        pltpu.VMEM((N_NODES,), jnp.float32),
        pltpu.VMEM((N_NODES,), jnp.float32),
        pltpu.VMEM((N_NODES,), jnp.float32),
        pltpu.VMEM((N_NODES,), jnp.float32),
        pltpu.VMEM((CH,), jnp.int32),
        pltpu.VMEM((CH,), jnp.int32),
        pltpu.VMEM((CH,), jnp.int32),
        pltpu.VMEM((CH,), jnp.int32),
        pltpu.SemaphoreType.DMA,
        pltpu.SemaphoreType.DMA,
        pltpu.SemaphoreType.DMA,
    ],
)
def _sc_segment_sum_t(xt_hbm, src_hbm, dst_hbm, out_hbm,
                      xc0, xc1, xc2, xc3, ac0, ac1, ac2, ac3,
                      src_a, dst_a, src_b, dst_b,
                      sem_x, sem_a, sem_b):
    c = lax.axis_index("c")
    s = lax.axis_index("s")
    t = s * NC + c
    xcs = (xc0, xc1, xc2, xc3)
    acs = (ac0, ac1, ac2, ac3)

    xcps = [
        pltpu.async_copy(
            xt_hbm.at[pl.ds(t * TILE_W + cc * N_NODES, N_NODES)], xcs[cc], sem_x)
        for cc in range(COLS)
    ]
    zero = jnp.zeros((L,), jnp.float32)

    def zbody(i, carry):
        for a in acs:
            a[pl.ds(i * L, L)] = zero
        return carry

    lax.fori_loop(0, N_NODES // L, zbody, 0)
    for cp in xcps:
        cp.wait()

    def fire(k, sbuf, dbuf, sem):
        pltpu.async_copy(src_hbm.at[pl.ds(k * CH, CH)], sbuf, sem)
        pltpu.async_copy(dst_hbm.at[pl.ds(k * CH, CH)], dbuf, sem)

    def drain(k, sbuf, dbuf, sem):
        pltpu.make_async_copy(src_hbm.at[pl.ds(k * CH, CH)], sbuf, sem).wait()
        pltpu.make_async_copy(dst_hbm.at[pl.ds(k * CH, CH)], dbuf, sem).wait()

    def process(sbuf, dbuf):
        @plsc.parallel_loop(0, GROUPS, unroll=16)
        def gbody(g):
            s_vec = sbuf[pl.ds(g * L, L)]
            d_vec = dbuf[pl.ds(g * L, L)]
            for cc in range(COLS):
                v = plsc.load_gather(xcs[cc], [s_vec])
                plsc.addupdate_scatter(acs[cc], [d_vec], v)

    fire(0, src_a, dst_a, sem_a)
    def mbody(m, carry):
        fire(2 * m + 1, src_b, dst_b, sem_b)
        drain(2 * m, src_a, dst_a, sem_a)
        process(src_a, dst_a)
        ka = jnp.minimum(2 * m + 2, N_CH - 1)
        fire(ka, src_a, dst_a, sem_a)
        drain(2 * m + 1, src_b, dst_b, sem_b)
        process(src_b, dst_b)
        return carry

    lax.fori_loop(0, N_CH // 2, mbody, 0)
    drain(N_CH - 1, src_a, dst_a, sem_a)

    for cc in range(COLS):
        pltpu.sync_copy(acs[cc], out_hbm.at[pl.ds(t * TILE_W + cc * N_NODES, N_NODES)])


def _finish_body(at_ref, w_ref, b_ref, o_ref):
    o_ref[...] = lax.dot_general(
        at_ref[...], w_ref[...],
        dimension_numbers=(((0,), (0,)), ((), ())),
        preferred_element_type=jnp.float32,
    ) + b_ref[...]


def _tc_finish(agg_t, weight, bias):
    return pl.pallas_call(
        _finish_body,
        out_shape=jax.ShapeDtypeStruct((N_NODES, D), jnp.float32),
    )(agg_t, weight, bias.reshape(1, D))


def kernel(x, edge_index, weight, bias):
    dst = edge_index[0]
    src = edge_index[1]
    xt_flat = x.T.reshape(NW * TILE_W)
    agg_flat = _sc_segment_sum_t(xt_flat, src, dst)
    agg_t = agg_flat.reshape(D, N_NODES)
    return _tc_finish(agg_t, weight, bias)

# --- scband reference (transcript-rebuilt; emitter-appended) ---
"""Pipeline reference for scband-mymodel-66657892434117 (READ-ONLY COPY).

The authoritative reference and input builder live on the scoring server;
editing this copy changes nothing except your own understanding.
"""

import jax, jax.numpy as jnp
import numpy as np

N_NODES = 10000
N_EDGES = 320000
D_FEAT = 128
WEIGHT_CHANNEL = 128


def setup_inputs(seed: int = 0) -> dict:
    key = jax.random.key(seed)
    k1, k2, k3, k4 = jax.random.split(key, 4)
    x = jax.random.normal(k1, (N_NODES, D_FEAT), dtype=jnp.float32)
    edge_index = jax.random.randint(k2, (2, N_EDGES), 0, N_NODES, dtype=jnp.int32)
    # Learned parameters (xavier-uniform style init, as in the original module)
    limit_w = float(np.sqrt(6.0 / (D_FEAT + WEIGHT_CHANNEL)))
    weight = jax.random.uniform(k3, (D_FEAT, WEIGHT_CHANNEL), dtype=jnp.float32, minval=-limit_w, maxval=limit_w)
    limit_b = float(np.sqrt(6.0 / (WEIGHT_CHANNEL + 1)))
    bias = jax.random.uniform(k4, (WEIGHT_CHANNEL,), dtype=jnp.float32, minval=-limit_b, maxval=limit_b)
    return {"x": x, "edge_index": edge_index, "weight": weight, "bias": bias}


def reference(x, edge_index, weight, bias):
    # Faithful GCN-style interpretation of the (broken) torch module:
    # out = A_sparse @ x @ W + b, where A is given in COO form via edge_index.
    dst = edge_index[0]
    src = edge_index[1]
    # gather source-node features along edges (SparseCore gather)
    messages = jnp.take(x, src, axis=0)            # [E, d_feat]
    # scatter-add into destination nodes (SparseCore scatter-add / segment_sum)
    agg = jax.ops.segment_sum(messages, dst, num_segments=N_NODES)  # [N, d_feat]
    out = agg @ weight + bias                       # [N, weight_channel]
    return out

if __name__ == "__main__":
    import jax
    _d = setup_inputs()
    print(jax.jit(kernel)(*tuple(_d.values())))

</pallas_src>

<mosaic_0001>
#map = affine_map<(d0, d1) -> (0)>
module attributes {stable_mosaic.version = 14 : i64} {
  func.func @_sc_segment_sum_t(%arg0: i32, %arg1: i32, %arg2: memref<1280000xf32, #tpu.memory_space<hbm>>, %arg3: memref<320000xi32, #tpu.memory_space<hbm>>, %arg4: memref<320000xi32, #tpu.memory_space<hbm>>, %arg5: memref<1280000xf32, #tpu.memory_space<hbm>>, %arg6: memref<10000xf32, #tpu.memory_space<vmem>>, %arg7: memref<10000xf32, #tpu.memory_space<vmem>>, %arg8: memref<10000xf32, #tpu.memory_space<vmem>>, %arg9: memref<10000xf32, #tpu.memory_space<vmem>>, %arg10: memref<10000xf32, #tpu.memory_space<vmem>>, %arg11: memref<10000xf32, #tpu.memory_space<vmem>>, %arg12: memref<10000xf32, #tpu.memory_space<vmem>>, %arg13: memref<10000xf32, #tpu.memory_space<vmem>>, %arg14: memref<8000xi32, #tpu.memory_space<vmem>>, %arg15: memref<8000xi32, #tpu.memory_space<vmem>>, %arg16: memref<8000xi32, #tpu.memory_space<vmem>>, %arg17: memref<8000xi32, #tpu.memory_space<vmem>>, %arg18: memref<!tpu.dma_semaphore, #tpu.memory_space<semaphore_mem>>, %arg19: memref<!tpu.dma_semaphore, #tpu.memory_space<semaphore_mem>>, %arg20: memref<!tpu.dma_semaphore, #tpu.memory_space<semaphore_mem>>) attributes {dimension_semantics = [#tpu.dimension_semantics<core_parallel>, #tpu.dimension_semantics<subcore_parallel>], iteration_bounds = array<i64: 2, 16>, scalar_prefetch = 0 : i64, scratch_operands = 15 : i64, tpu.core_type = #tpu.core_type<sc_vector_subcore>, window_params = [{transform_indices = #map}, {transform_indices = #map}, {transform_indices = #map}, {transform_indices = #map}]} {
    %mul3A = arith.constant 2 : i32
    %mul3A_0 = arith.muli %arg1, %mul3A : i32
    %add3A = arith.addi %mul3A_0, %arg0 : i32
    %mul3A_1 = arith.constant 40000 : i32
    %mul3A_2 = arith.muli %add3A, %mul3A_1 : i32
    %add3A_3 = arith.constant 0 : i32
    %add3A_4 = arith.addi %mul3A_2, %add3A_3 : i32
    %dma_start3A = tpu.memref_slice %arg2[%add3A_4] : memref<1280000xf32, #tpu.memory_space<hbm>> -> memref<10000xf32, #tpu.memory_space<hbm>>
    %dma_start3A_5 = tpu.memref_slice %arg2[%add3A_4] : memref<1280000xf32, #tpu.memory_space<hbm>> -> memref<10000xf32, #tpu.memory_space<hbm>>
    tpu.enqueue_dma source(%dma_start3A_5 : memref<10000xf32, #tpu.memory_space<hbm>>) target(%arg6 : memref<10000xf32, #tpu.memory_space<vmem>>) target_semaphore(%arg18 : memref<!tpu.dma_semaphore, #tpu.memory_space<semaphore_mem>>)
    %mul3A_6 = arith.constant 40000 : i32
    %mul3A_7 = arith.muli %add3A, %mul3A_6 : i32
    %add3A_8 = arith.constant 10000 : i32
    %add3A_9 = arith.addi %mul3A_7, %add3A_8 : i32
    %dma_start3A_10 = tpu.memref_slice %arg2[%add3A_9] : memref<1280000xf32, #tpu.memory_space<hbm>> -> memref<10000xf32, #tpu.memory_space<hbm>>
    %dma_start3A_11 = tpu.memref_slice %arg2[%add3A_9] : memref<1280000xf32, #tpu.memory_space<hbm>> -> memref<10000xf32, #tpu.memory_space<hbm>>
    tpu.enqueue_dma source(%dma_start3A_11 : memref<10000xf32, #tpu.memory_space<hbm>>) target(%arg7 : memref<10000xf32, #tpu.memory_space<vmem>>) target_semaphore(%arg18 : memref<!tpu.dma_semaphore, #tpu.memory_space<semaphore_mem>>)
    %mul3A_12 = arith.constant 40000 : i32
    %mul3A_13 = arith.muli %add3A, %mul3A_12 : i32
    %add3A_14 = arith.constant 20000 : i32
    %add3A_15 = arith.addi %mul3A_13, %add3A_14 : i32
    %dma_start3A_16 = tpu.memref_slice %arg2[%add3A_15] : memref<1280000xf32, #tpu.memory_space<hbm>> -> memref<10000xf32, #tpu.memory_space<hbm>>
    %dma_start3A_17 = tpu.memref_slice %arg2[%add3A_15] : memref<1280000xf32, #tpu.memory_space<hbm>> -> memref<10000xf32, #tpu.memory_space<hbm>>
    tpu.enqueue_dma source(%dma_start3A_17 : memref<10000xf32, #tpu.memory_space<hbm>>) target(%arg8 : memref<10000xf32, #tpu.memory_space<vmem>>) target_semaphore(%arg18 : memref<!tpu.dma_semaphore, #tpu.memory_space<semaphore_mem>>)
    %mul3A_18 = arith.constant 40000 : i32
    %mul3A_19 = arith.muli %add3A, %mul3A_18 : i32
    %add3A_20 = arith.constant 30000 : i32
    %add3A_21 = arith.addi %mul3A_19, %add3A_20 : i32
    %dma_start3A_22 = tpu.memref_slice %arg2[%add3A_21] : memref<1280000xf32, #tpu.memory_space<hbm>> -> memref<10000xf32, #tpu.memory_space<hbm>>
    %dma_start3A_23 = tpu.memref_slice %arg2[%add3A_21] : memref<1280000xf32, #tpu.memory_space<hbm>> -> memref<10000xf32, #tpu.memory_space<hbm>>
    tpu.enqueue_dma source(%dma_start3A_23 : memref<10000xf32, #tpu.memory_space<hbm>>) target(%arg9 : memref<10000xf32, #tpu.memory_space<vmem>>) target_semaphore(%arg18 : memref<!tpu.dma_semaphore, #tpu.memory_space<semaphore_mem>>)
    %broadcast_in_dim3A = arith.constant 0.000000e+00 : f32
    %broadcast_in_dim3A_24 = vector.broadcast %broadcast_in_dim3A : f32 to vector<16xf32>
    %scan3A = arith.constant 0 : i32
    %scan3A_25 = arith.constant 0 : i32
    %scan3A_26 = arith.constant 625 : i32
    %scan3A_27 = arith.addi %scan3A_25, %scan3A_26 : i32
    %scan3A_28 = arith.constant 1 : i32
    scf.for %scan3A_75 = %scan3A_25 to %scan3A_27 step %scan3A_28  : i32 {
      %mul3A_76 = arith.constant 16 : i32
      %mul3A_77 = arith.muli %scan3A_75, %mul3A_76 : i32
      %swap3A = arith.index_cast %mul3A_77 : i32 to index
      %swap3A_78 = tpu.vector_load %arg10[%swap3A] {strides = array<i32>} : memref<10000xf32, #tpu.memory_space<vmem>>, vector<16xf32>,
      tpu.vector_store %arg10[%swap3A], %broadcast_in_dim3A_24 {strides = array<i32>} : memref<10000xf32, #tpu.memory_space<vmem>>, vector<16xf32>,
      %mul3A_79 = arith.constant 16 : i32
      %mul3A_80 = arith.muli %scan3A_75, %mul3A_79 : i32
      %swap3A_81 = arith.index_cast %mul3A_80 : i32 to index
      %swap3A_82 = tpu.vector_load %arg11[%swap3A_81] {strides = array<i32>} : memref<10000xf32, #tpu.memory_space<vmem>>, vector<16xf32>,
      tpu.vector_store %arg11[%swap3A_81], %broadcast_in_dim3A_24 {strides = array<i32>} : memref<10000xf32, #tpu.memory_space<vmem>>, vector<16xf32>,
      %mul3A_83 = arith.constant 16 : i32
      %mul3A_84 = arith.muli %scan3A_75, %mul3A_83 : i32
      %swap3A_85 = arith.index_cast %mul3A_84 : i32 to index
      %swap3A_86 = tpu.vector_load %arg12[%swap3A_85] {strides = array<i32>} : memref<10000xf32, #tpu.memory_space<vmem>>, vector<16xf32>,
      tpu.vector_store %arg12[%swap3A_85], %broadcast_in_dim3A_24 {strides = array<i32>} : memref<10000xf32, #tpu.memory_space<vmem>>, vector<16xf32>,
      %mul3A_87 = arith.constant 16 : i32
      %mul3A_88 = arith.muli %scan3A_75, %mul3A_87 : i32
      %swap3A_89 = arith.index_cast %mul3A_88 : i32 to index
      %swap3A_90 = tpu.vector_load %arg13[%swap3A_89] {strides = array<i32>} : memref<10000xf32, #tpu.memory_space<vmem>>, vector<16xf32>,
      tpu.vector_store %arg13[%swap3A_89], %broadcast_in_dim3A_24 {strides = array<i32>} : memref<10000xf32, #tpu.memory_space<vmem>>, vector<16xf32>,
    }
    %scan3A_29 = arith.constant 625 : i32
    %dma_wait3A = tpu.memref_slice %arg2[%add3A_4] : memref<1280000xf32, #tpu.memory_space<hbm>> -> memref<10000xf32, #tpu.memory_space<hbm>>
    %dma_wait3A_30 = tpu.memref_slice %arg2[%add3A_4] : memref<1280000xf32, #tpu.memory_space<hbm>> -> memref<10000xf32, #tpu.memory_space<hbm>>
    tpu.wait_dma2 semaphore(%arg18 : memref<!tpu.dma_semaphore, #tpu.memory_space<semaphore_mem>>) src(%dma_wait3A_30 : memref<10000xf32, #tpu.memory_space<hbm>>) dst(%arg6 : memref<10000xf32, #tpu.memory_space<vmem>>)
    %dma_wait3A_31 = tpu.memref_slice %arg2[%add3A_9] : memref<1280000xf32, #tpu.memory_space<hbm>> -> memref<10000xf32, #tpu.memory_space<hbm>>
    %dma_wait3A_32 = tpu.memref_slice %arg2[%add3A_9] : memref<1280000xf32, #tpu.memory_space<hbm>> -> memref<10000xf32, #tpu.memory_space<hbm>>
    tpu.wait_dma2 semaphore(%arg18 : memref<!tpu.dma_semaphore, #tpu.memory_space<semaphore_mem>>) src(%dma_wait3A_32 : memref<10000xf32, #tpu.memory_space<hbm>>) dst(%arg7 : memref<10000xf32, #tpu.memory_space<vmem>>)
    %dma_wait3A_33 = tpu.memref_slice %arg2[%add3A_15] : memref<1280000xf32, #tpu.memory_space<hbm>> -> memref<10000xf32, #tpu.memory_space<hbm>>
    %dma_wait3A_34 = tpu.memref_slice %arg2[%add3A_15] : memref<1280000xf32, #tpu.memory_space<hbm>> -> memref<10000xf32, #tpu.memory_space<hbm>>
    tpu.wait_dma2 semaphore(%arg18 : memref<!tpu.dma_semaphore, #tpu.memory_space<semaphore_mem>>) src(%dma_wait3A_34 : memref<10000xf32, #tpu.memory_space<hbm>>) dst(%arg8 : memref<10000xf32, #tpu.memory_space<vmem>>)
    %dma_wait3A_35 = tpu.memref_slice %arg2[%add3A_21] : memref<1280000xf32, #tpu.memory_space<hbm>> -> memref<10000xf32, #tpu.memory_space<hbm>>
    %dma_wait3A_36 = tpu.memref_slice %arg2[%add3A_21] : memref<1280000xf32, #tpu.memory_space<hbm>> -> memref<10000xf32, #tpu.memory_space<hbm>>
    tpu.wait_dma2 semaphore(%arg18 : memref<!tpu.dma_semaphore, #tpu.memory_space<semaphore_mem>>) src(%dma_wait3A_36 : memref<10000xf32, #tpu.memory_space<hbm>>) dst(%arg9 : memref<10000xf32, #tpu.memory_space<vmem>>)
    %dma_start3A_37 = arith.constant 0 : i32
    %dma_start3A_38 = tpu.memref_slice %arg3[%dma_start3A_37] : memref<320000xi32, #tpu.memory_space<hbm>> -> memref<8000xi32, #tpu.memory_space<hbm>>
    %dma_start3A_39 = arith.constant 0 : i32
    %dma_start3A_40 = tpu.memref_slice %arg3[%dma_start3A_39] : memref<320000xi32, #tpu.memory_space<hbm>> -> memref<8000xi32, #tpu.memory_space<hbm>>
    tpu.enqueue_dma source(%dma_start3A_40 : memref<8000xi32, #tpu.memory_space<hbm>>) target(%arg14 : memref<8000xi32, #tpu.memory_space<vmem>>) target_semaphore(%arg19 : memref<!tpu.dma_semaphore, #tpu.memory_space<semaphore_mem>>)
    %dma_start3A_41 = arith.constant 0 : i32
    %dma_start3A_42 = tpu.memref_slice %arg4[%dma_start3A_41] : memref<320000xi32, #tpu.memory_space<hbm>> -> memref<8000xi32, #tpu.memory_space<hbm>>
    %dma_start3A_43 = arith.constant 0 : i32
    %dma_start3A_44 = tpu.memref_slice %arg4[%dma_start3A_43] : memref<320000xi32, #tpu.memory_space<hbm>> -> memref<8000xi32, #tpu.memory_space<hbm>>
    tpu.enqueue_dma source(%dma_start3A_44 : memref<8000xi32, #tpu.memory_space<hbm>>) target(%arg15 : memref<8000xi32, #tpu.memory_space<vmem>>) target_semaphore(%arg19 : memref<!tpu.dma_semaphore, #tpu.memory_space<semaphore_mem>>)
    %scan3A_45 = arith.constant 0 : i32
    %scan3A_46 = arith.constant 0 : i32
    %scan3A_47 = arith.constant 20 : i32
    %scan3A_48 = arith.addi %scan3A_46, %scan3A_47 : i32
    %scan3A_49 = arith.constant 1 : i32
    scf.for %scan3A_75 = %scan3A_46 to %scan3A_48 step %scan3A_49  : i32 {
      %mul3A_76 = arith.constant 2 : i32
      %mul3A_77 = arith.muli %mul3A_76, %scan3A_75 : i32
      %add3A_78 = arith.constant 1 : i32
      %add3A_79 = arith.addi %mul3A_77, %add3A_78 : i32
      %mul3A_80 = arith.constant 8000 : i32
      %mul3A_81 = arith.muli %add3A_79, %mul3A_80 : i32
      %dma_start3A_82 = tpu.memref_slice %arg3[%mul3A_81] : memref<320000xi32, #tpu.memory_space<hbm>> -> memref<8000xi32, #tpu.memory_space<hbm>>
      %dma_start3A_83 = tpu.memref_slice %arg3[%mul3A_81] : memref<320000xi32, #tpu.memory_space<hbm>> -> memref<8000xi32, #tpu.memory_space<hbm>>
      tpu.enqueue_dma source(%dma_start3A_83 : memref<8000xi32, #tpu.memory_space<hbm>>) target(%arg16 : memref<8000xi32, #tpu.memory_space<vmem>>) target_semaphore(%arg20 : memref<!tpu.dma_semaphore, #tpu.memory_space<semaphore_mem>>)
      %mul3A_84 = arith.constant 8000 : i32
      %mul3A_85 = arith.muli %add3A_79, %mul3A_84 : i32
      %dma_start3A_86 = tpu.memref_slice %arg4[%mul3A_85] : memref<320000xi32, #tpu.memory_space<hbm>> -> memref<8000xi32, #tpu.memory_space<hbm>>
      %dma_start3A_87 = tpu.memref_slice %arg4[%mul3A_85] : memref<320000xi32, #tpu.memory_space<hbm>> -> memref<8000xi32, #tpu.memory_space<hbm>>
      tpu.enqueue_dma source(%dma_start3A_87 : memref<8000xi32, #tpu.memory_space<hbm>>) target(%arg17 : memref<8000xi32, #tpu.memory_space<vmem>>) target_semaphore(%arg20 : memref<!tpu.dma_semaphore, #tpu.memory_space<semaphore_mem>>)
      %mul3A_88 = arith.constant 2 : i32
      %mul3A_89 = arith.muli %mul3A_88, %scan3A_75 : i32
      %mul3A_90 = arith.constant 8000 : i32
      %mul3A_91 = arith.muli %mul3A_89, %mul3A_90 : i32
      %dma_wait3A_92 = tpu.memref_slice %arg3[%mul3A_91] : memref<320000xi32, #tpu.memory_space<hbm>> -> memref<8000xi32, #tpu.memory_space<hbm>>
      %dma_wait3A_93 = tpu.memref_slice %arg3[%mul3A_91] : memref<320000xi32, #tpu.memory_space<hbm>> -> memref<8000xi32, #tpu.memory_space<hbm>>
      tpu.wait_dma2 semaphore(%arg19 : memref<!tpu.dma_semaphore, #tpu.memory_space<semaphore_mem>>) src(%dma_wait3A_93 : memref<8000xi32, #tpu.memory_space<hbm>>) dst(%arg14 : memref<8000xi32, #tpu.memory_space<vmem>>)
      %mul3A_94 = arith.constant 8000 : i32
      %mul3A_95 = arith.muli %mul3A_89, %mul3A_94 : i32
      %dma_wait3A_96 = tpu.memref_slice %arg4[%mul3A_95] : memref<320000xi32, #tpu.memory_space<hbm>> -> memref<8000xi32, #tpu.memory_space<hbm>>
      %dma_wait3A_97 = tpu.memref_slice %arg4[%mul3A_95] : memref<320000xi32, #tpu.memory_space<hbm>> -> memref<8000xi32, #tpu.memory_space<hbm>>
      tpu.wait_dma2 semaphore(%arg19 : memref<!tpu.dma_semaphore, #tpu.memory_space<semaphore_mem>>) src(%dma_wait3A_97 : memref<8000xi32, #tpu.memory_space<hbm>>) dst(%arg15 : memref<8000xi32, #tpu.memory_space<vmem>>)
      %parallel_loop3A = arith.constant 0 : i32
      %parallel_loop3A_98 = arith.constant 500 : i32
      %parallel_loop3A_99 = arith.constant 1 : i32
      scf.for %parallel_loop3A_128 = %parallel_loop3A to %parallel_loop3A_98 step %parallel_loop3A_99  : i32 {
        %parallel_loop3A_129 = arith.constant 16 : i32
        %parallel_loop3A_130 = arith.muli %parallel_loop3A_128, %parallel_loop3A_129 : i32
        %parallel_loop3A_131 = arith.index_cast %parallel_loop3A_130 : i32 to index
        %parallel_loop3A_132 = tpu.vector_load %arg14[%parallel_loop3A_131] {strides = array<i32>} : memref<8000xi32, #tpu.memory_space<vmem>>, vector<16xi32>,
        %parallel_loop3A_133 = arith.constant 16 : i32
        %parallel_loop3A_134 = arith.muli %parallel_loop3A_128, %parallel_loop3A_133 : i32
        %parallel_loop3A_135 = arith.index_cast %parallel_loop3A_134 : i32 to index
        %parallel_loop3A_136 = tpu.vector_load %arg15[%parallel_loop3A_135] {strides = array<i32>} : memref<8000xi32, #tpu.memory_space<vmem>>, vector<16xi32>,
        %parallel_loop3A_137 = tpu.vector_load_idx %arg6[%parallel_loop3A_132] : memref<10000xf32, #tpu.memory_space<vmem>>[vector<16xi32>], vector<16xf32>,
        tpu.vector_store_idx %arg10[%parallel_loop3A_136], %parallel_loop3A_137 {add = true} : memref<10000xf32, #tpu.memory_space<vmem>>[vector<16xi32>], vector<16xf32>,
        %parallel_loop3A_138 = tpu.vector_load_idx %arg7[%parallel_loop3A_132] : memref<10000xf32, #tpu.memory_space<vmem>>[vector<16xi32>], vector<16xf32>,
        tpu.vector_store_idx %arg11[%parallel_loop3A_136], %parallel_loop3A_138 {add = true} : memref<10000xf32, #tpu.memory_space<vmem>>[vector<16xi32>], vector<16xf32>,
        %parallel_loop3A_139 = tpu.vector_load_idx %arg8[%parallel_loop3A_132] : memref<10000xf32, #tpu.memory_space<vmem>>[vector<16xi32>], vector<16xf32>,
        tpu.vector_store_idx %arg12[%parallel_loop3A_136], %parallel_loop3A_139 {add = true} : memref<10000xf32, #tpu.memory_space<vmem>>[vector<16xi32>], vector<16xf32>,
        %parallel_loop3A_140 = tpu.vector_load_idx %arg9[%parallel_loop3A_132] : memref<10000xf32, #tpu.memory_space<vmem>>[vector<16xi32>], vector<16xf32>,
        tpu.vector_store_idx %arg13[%parallel_loop3A_136], %parallel_loop3A_140 {add = true} : memref<10000xf32, #tpu.memory_space<vmem>>[vector<16xi32>], vector<16xf32>,
      } {sc.loop_unroll_factor = 16 : i64, sc.parallel_access}
      %mul3A_100 = arith.constant 2 : i32
      %mul3A_101 = arith.muli %mul3A_100, %scan3A_75 : i32
      %add3A_102 = arith.constant 2 : i32
      %add3A_103 = arith.addi %mul3A_101, %add3A_102 : i32
      %min3A = arith.constant 39 : i32
      %min3A_104 = arith.minsi %add3A_103, %min3A : i32
      %mul3A_105 = arith.constant 8000 : i32
      %mul3A_106 = arith.muli %min3A_104, %mul3A_105 : i32
      %dma_start3A_107 = tpu.memref_slice %arg3[%mul3A_106] : memref<320000xi32, #tpu.memory_space<hbm>> -> memref<8000xi32, #tpu.memory_space<hbm>>
      %dma_start3A_108 = tpu.memref_slice %arg3[%mul3A_106] : memref<320000xi32, #tpu.memory_space<hbm>> -> memref<8000xi32, #tpu.memory_space<hbm>>
      tpu.enqueue_dma source(%dma_start3A_108 : memref<8000xi32, #tpu.memory_space<hbm>>) target(%arg14 : memref<8000xi32, #tpu.memory_space<vmem>>) target_semaphore(%arg19 : memref<!tpu.dma_semaphore, #tpu.memory_space<semaphore_mem>>)
      %mul3A_109 = arith.constant 8000 : i32
      %mul3A_110 = arith.muli %min3A_104, %mul3A_109 : i32
      %dma_start3A_111 = tpu.memref_slice %arg4[%mul3A_110] : memref<320000xi32, #tpu.memory_space<hbm>> -> memref<8000xi32, #tpu.memory_space<hbm>>
      %dma_start3A_112 = tpu.memref_slice %arg4[%mul3A_110] : memref<320000xi32, #tpu.memory_space<hbm>> -> memref<8000xi32, #tpu.memory_space<hbm>>
      tpu.enqueue_dma source(%dma_start3A_112 : memref<8000xi32, #tpu.memory_space<hbm>>) target(%arg15 : memref<8000xi32, #tpu.memory_space<vmem>>) target_semaphore(%arg19 : memref<!tpu.dma_semaphore, #tpu.memory_space<semaphore_mem>>)
      %mul3A_113 = arith.constant 2 : i32
      %mul3A_114 = arith.muli %mul3A_113, %scan3A_75 : i32
      %add3A_115 = arith.constant 1 : i32
      %add3A_116 = arith.addi %mul3A_114, %add3A_115 : i32
      %mul3A_117 = arith.constant 8000 : i32
      %mul3A_118 = arith.muli %add3A_116, %mul3A_117 : i32
      %dma_wait3A_119 = tpu.memref_slice %arg3[%mul3A_118] : memref<320000xi32, #tpu.memory_space<hbm>> -> memref<8000xi32, #tpu.memory_space<hbm>>
      %dma_wait3A_120 = tpu.memref_slice %arg3[%mul3A_118] : memref<320000xi32, #tpu.memory_space<hbm>> -> memref<8000xi32, #tpu.memory_space<hbm>>
      tpu.wait_dma2 semaphore(%arg20 : memref<!tpu.dma_semaphore, #tpu.memory_space<semaphore_mem>>) src(%dma_wait3A_120 : memref<8000xi32, #tpu.memory_space<hbm>>) dst(%arg16 : memref<8000xi32, #tpu.memory_space<vmem>>)
      %mul3A_121 = arith.constant 8000 : i32
      %mul3A_122 = arith.muli %add3A_116, %mul3A_121 : i32
      %dma_wait3A_123 = tpu.memref_slice %arg4[%mul3A_122] : memref<320000xi32, #tpu.memory_space<hbm>> -> memref<8000xi32, #tpu.memory_space<hbm>>
      %dma_wait3A_124 = tpu.memref_slice %arg4[%mul3A_122] : memref<320000xi32, #tpu.memory_space<hbm>> -> memref<8000xi32, #tpu.memory_space<hbm>>
      tpu.wait_dma2 semaphore(%arg20 : memref<!tpu.dma_semaphore, #tpu.memory_space<semaphore_mem>>) src(%dma_wait3A_124 : memref<8000xi32, #tpu.memory_space<hbm>>) dst(%arg17 : memref<8000xi32, #tpu.memory_space<vmem>>)
      %parallel_loop3A_125 = arith.constant 0 : i32
      %parallel_loop3A_126 = arith.constant 500 : i32
      %parallel_loop3A_127 = arith.constant 1 : i32
      scf.for %parallel_loop3A_128 = %parallel_loop3A_125 to %parallel_loop3A_126 step %parallel_loop3A_127  : i32 {
        %parallel_loop3A_129 = arith.constant 16 : i32
        %parallel_loop3A_130 = arith.muli %parallel_loop3A_128, %parallel_loop3A_129 : i32
        %parallel_loop3A_131 = arith.index_cast %parallel_loop3A_130 : i32 to index
        %parallel_loop3A_132 = tpu.vector_load %arg16[%parallel_loop3A_131] {strides = array<i32>} : memref<8000xi32, #tpu.memory_space<vmem>>, vector<16xi32>,
        %parallel_loop3A_133 = arith.constant 16 : i32
        %parallel_loop3A_134 = arith.muli %parallel_loop3A_128, %parallel_loop3A_133 : i32
        %parallel_loop3A_135 = arith.index_cast %parallel_loop3A_134 : i32 to index
        %parallel_loop3A_136 = tpu.vector_load %arg17[%parallel_loop3A_135] {strides = array<i32>} : memref<8000xi32, #tpu.memory_space<vmem>>, vector<16xi32>,
        %parallel_loop3A_137 = tpu.vector_load_idx %arg6[%parallel_loop3A_132] : memref<10000xf32, #tpu.memory_space<vmem>>[vector<16xi32>], vector<16xf32>,
        tpu.vector_store_idx %arg10[%parallel_loop3A_136], %parallel_loop3A_137 {add = true} : memref<10000xf32, #tpu.memory_space<vmem>>[vector<16xi32>], vector<16xf32>,
        %parallel_loop3A_138 = tpu.vector_load_idx %arg7[%parallel_loop3A_132] : memref<10000xf32, #tpu.memory_space<vmem>>[vector<16xi32>], vector<16xf32>,
        tpu.vector_store_idx %arg11[%parallel_loop3A_136], %parallel_loop3A_138 {add = true} : memref<10000xf32, #tpu.memory_space<vmem>>[vector<16xi32>], vector<16xf32>,
        %parallel_loop3A_139 = tpu.vector_load_idx %arg8[%parallel_loop3A_132] : memref<10000xf32, #tpu.memory_space<vmem>>[vector<16xi32>], vector<16xf32>,
        tpu.vector_store_idx %arg12[%parallel_loop3A_136], %parallel_loop3A_139 {add = true} : memref<10000xf32, #tpu.memory_space<vmem>>[vector<16xi32>], vector<16xf32>,
        %parallel_loop3A_140 = tpu.vector_load_idx %arg9[%parallel_loop3A_132] : memref<10000xf32, #tpu.memory_space<vmem>>[vector<16xi32>], vector<16xf32>,
        tpu.vector_store_idx %arg13[%parallel_loop3A_136], %parallel_loop3A_140 {add = true} : memref<10000xf32, #tpu.memory_space<vmem>>[vector<16xi32>], vector<16xf32>,
      } {sc.loop_unroll_factor = 16 : i64, sc.parallel_access}
    }
    %scan3A_50 = arith.constant 20 : i32
    %dma_wait3A_51 = arith.constant 312000 : i32
    %dma_wait3A_52 = tpu.memref_slice %arg3[%dma_wait3A_51] : memref<320000xi32, #tpu.memory_space<hbm>> -> memref<8000xi32, #tpu.memory_space<hbm>>
    %dma_wait3A_53 = arith.constant 312000 : i32
    %dma_wait3A_54 = tpu.memref_slice %arg3[%dma_wait3A_53] : memref<320000xi32, #tpu.memory_space<hbm>> -> memref<8000xi32, #tpu.memory_space<hbm>>
    tpu.wait_dma2 semaphore(%arg19 : memref<!tpu.dma_semaphore, #tpu.memory_space<semaphore_mem>>) src(%dma_wait3A_54 : memref<8000xi32, #tpu.memory_space<hbm>>) dst(%arg14 : memref<8000xi32, #tpu.memory_space<vmem>>)
    %dma_wait3A_55 = arith.constant 312000 : i32
    %dma_wait3A_56 = tpu.memref_slice %arg4[%dma_wait3A_55] : memref<320000xi32, #tpu.memory_space<hbm>> -> memref<8000xi32, #tpu.memory_space<hbm>>
    %dma_wait3A_57 = arith.constant 312000 : i32
    %dma_wait3A_58 = tpu.memref_slice %arg4[%dma_wait3A_57] : memref<320000xi32, #tpu.memory_space<hbm>> -> memref<8000xi32, #tpu.memory_space<hbm>>
    tpu.wait_dma2 semaphore(%arg19 : memref<!tpu.dma_semaphore, #tpu.memory_space<semaphore_mem>>) src(%dma_wait3A_58 : memref<8000xi32, #tpu.memory_space<hbm>>) dst(%arg15 : memref<8000xi32, #tpu.memory_space<vmem>>)
    %mul3A_59 = arith.constant 40000 : i32
    %mul3A_60 = arith.muli %add3A, %mul3A_59 : i32
    %add3A_61 = arith.constant 0 : i32
    %add3A_62 = arith.addi %mul3A_60, %add3A_61 : i32
    "tpu.region"() ({
      %run_scoped3A = tpu.sem_alloc : memref<!tpu.dma_semaphore, #tpu.memory_space<semaphore_mem>>
      %dma_start3A_75 = tpu.memref_slice %arg5[%add3A_62] : memref<1280000xf32, #tpu.memory_space<hbm>> -> memref<10000xf32, #tpu.memory_space<hbm>>
      %dma_start3A_76 = tpu.memref_slice %arg5[%add3A_62] : memref<1280000xf32, #tpu.memory_space<hbm>> -> memref<10000xf32, #tpu.memory_space<hbm>>
      tpu.enqueue_dma source(%arg10 : memref<10000xf32, #tpu.memory_space<vmem>>) target(%dma_start3A_76 : memref<10000xf32, #tpu.memory_space<hbm>>) target_semaphore(%run_scoped3A : memref<!tpu.dma_semaphore, #tpu.memory_space<semaphore_mem>>)
      %dma_wait3A_77 = tpu.memref_slice %arg5[%add3A_62] : memref<1280000xf32, #tpu.memory_space<hbm>> -> memref<10000xf32, #tpu.memory_space<hbm>>
      %dma_wait3A_78 = tpu.memref_slice %arg5[%add3A_62] : memref<1280000xf32, #tpu.memory_space<hbm>> -> memref<10000xf32, #tpu.memory_space<hbm>>
      tpu.wait_dma2 semaphore(%run_scoped3A : memref<!tpu.dma_semaphore, #tpu.memory_space<semaphore_mem>>) src(%arg10 : memref<10000xf32, #tpu.memory_space<vmem>>) dst(%dma_wait3A_78 : memref<10000xf32, #tpu.memory_space<hbm>>)
      tpu.yield
    }) : () -> ()
    %mul3A_63 = arith.constant 40000 : i32
    %mul3A_64 = arith.muli %add3A, %mul3A_63 : i32
    %add3A_65 = arith.constant 10000 : i32
    %add3A_66 = arith.addi %mul3A_64, %add3A_65 : i32
    "tpu.region"() ({
      %run_scoped3A = tpu.sem_alloc : memref<!tpu.dma_semaphore, #tpu.memory_space<semaphore_mem>>
      %dma_start3A_75 = tpu.memref_slice %arg5[%add3A_66] : memref<1280000xf32, #tpu.memory_space<hbm>> -> memref<10000xf32, #tpu.memory_space<hbm>>
      %dma_start3A_76 = tpu.memref_slice %arg5[%add3A_66] : memref<1280000xf32, #tpu.memory_space<hbm>> -> memref<10000xf32, #tpu.memory_space<hbm>>
      tpu.enqueue_dma source(%arg11 : memref<10000xf32, #tpu.memory_space<vmem>>) target(%dma_start3A_76 : memref<10000xf32, #tpu.memory_space<hbm>>) target_semaphore(%run_scoped3A : memref<!tpu.dma_semaphore, #tpu.memory_space<semaphore_mem>>)
      %dma_wait3A_77 = tpu.memref_slice %arg5[%add3A_66] : memref<1280000xf32, #tpu.memory_space<hbm>> -> memref<10000xf32, #tpu.memory_space<hbm>>
      %dma_wait3A_78 = tpu.memref_slice %arg5[%add3A_66] : memref<1280000xf32, #tpu.memory_space<hbm>> -> memref<10000xf32, #tpu.memory_space<hbm>>
      tpu.wait_dma2 semaphore(%run_scoped3A : memref<!tpu.dma_semaphore, #tpu.memory_space<semaphore_mem>>) src(%arg11 : memref<10000xf32, #tpu.memory_space<vmem>>) dst(%dma_wait3A_78 : memref<10000xf32, #tpu.memory_space<hbm>>)
      tpu.yield
    }) : () -> ()
    %mul3A_67 = arith.constant 40000 : i32
    %mul3A_68 = arith.muli %add3A, %mul3A_67 : i32
    %add3A_69 = arith.constant 20000 : i32
    %add3A_70 = arith.addi %mul3A_68, %add3A_69 : i32
    "tpu.region"() ({
      %run_scoped3A = tpu.sem_alloc : memref<!tpu.dma_semaphore, #tpu.memory_space<semaphore_mem>>
      %dma_start3A_75 = tpu.memref_slice %arg5[%add3A_70] : memref<1280000xf32, #tpu.memory_space<hbm>> -> memref<10000xf32, #tpu.memory_space<hbm>>
      %dma_start3A_76 = tpu.memref_slice %arg5[%add3A_70] : memref<1280000xf32, #tpu.memory_space<hbm>> -> memref<10000xf32, #tpu.memory_space<hbm>>
      tpu.enqueue_dma source(%arg12 : memref<10000xf32, #tpu.memory_space<vmem>>) target(%dma_start3A_76 : memref<10000xf32, #tpu.memory_space<hbm>>) target_semaphore(%run_scoped3A : memref<!tpu.dma_semaphore, #tpu.memory_space<semaphore_mem>>)
      %dma_wait3A_77 = tpu.memref_slice %arg5[%add3A_70] : memref<1280000xf32, #tpu.memory_space<hbm>> -> memref<10000xf32, #tpu.memory_space<hbm>>
      %dma_wait3A_78 = tpu.memref_slice %arg5[%add3A_70] : memref<1280000xf32, #tpu.memory_space<hbm>> -> memref<10000xf32, #tpu.memory_space<hbm>>
      tpu.wait_dma2 semaphore(%run_scoped3A : memref<!tpu.dma_semaphore, #tpu.memory_space<semaphore_mem>>) src(%arg12 : memref<10000xf32, #tpu.memory_space<vmem>>) dst(%dma_wait3A_78 : memref<10000xf32, #tpu.memory_space<hbm>>)
      tpu.yield
    }) : () -> ()
    %mul3A_71 = arith.constant 40000 : i32
    %mul3A_72 = arith.muli %add3A, %mul3A_71 : i32
    %add3A_73 = arith.constant 30000 : i32
    %add3A_74 = arith.addi %mul3A_72, %add3A_73 : i32
    "tpu.region"() ({
      %run_scoped3A = tpu.sem_alloc : memref<!tpu.dma_semaphore, #tpu.memory_space<semaphore_mem>>
      %dma_start3A_75 = tpu.memref_slice %arg5[%add3A_74] : memref<1280000xf32, #tpu.memory_space<hbm>> -> memref<10000xf32, #tpu.memory_space<hbm>>
      %dma_start3A_76 = tpu.memref_slice %arg5[%add3A_74] : memref<1280000xf32, #tpu.memory_space<hbm>> -> memref<10000xf32, #tpu.memory_space<hbm>>
      tpu.enqueue_dma source(%arg13 : memref<10000xf32, #tpu.memory_space<vmem>>) target(%dma_start3A_76 : memref<10000xf32, #tpu.memory_space<hbm>>) target_semaphore(%run_scoped3A : memref<!tpu.dma_semaphore, #tpu.memory_space<semaphore_mem>>)
      %dma_wait3A_77 = tpu.memref_slice %arg5[%add3A_74] : memref<1280000xf32, #tpu.memory_space<hbm>> -> memref<10000xf32, #tpu.memory_space<hbm>>
      %dma_wait3A_78 = tpu.memref_slice %arg5[%add3A_74] : memref<1280000xf32, #tpu.memory_space<hbm>> -> memref<10000xf32, #tpu.memory_space<hbm>>
      tpu.wait_dma2 semaphore(%run_scoped3A : memref<!tpu.dma_semaphore, #tpu.memory_space<semaphore_mem>>) src(%arg13 : memref<10000xf32, #tpu.memory_space<vmem>>) dst(%dma_wait3A_78 : memref<10000xf32, #tpu.memory_space<hbm>>)
      tpu.yield
    }) : () -> ()
    return
  }
}

module attributes {stable_mosaic.version = 14 : i64} {
  func.func @_finish_body(%arg0: memref<128x10000xf32, #tpu.memory_space<vmem>>, %arg1: memref<128x128xf32, #tpu.memory_space<vmem>>, %arg2: memref<1x128xf32, #tpu.memory_space<vmem>>, %arg3: memref<10000x128xf32, #tpu.memory_space<vmem>>) attributes {dimension_semantics = [], scalar_prefetch = 0 : i64, scratch_operands = 0 : i64, tpu.core_type = #tpu.core_type<tc>} {
    %get3A = arith.constant 0 : index
    %get3A_0 = arith.constant 0 : index
    %get3A_1 = vector.load %arg0[%get3A, %get3A_0] : memref<128x10000xf32, #tpu.memory_space<vmem>>, vector<128x10000xf32>
    %get3A_2 = arith.constant 0 : index
    %get3A_3 = arith.constant 0 : index
    %get3A_4 = vector.load %arg1[%get3A_2, %get3A_3] : memref<128x128xf32, #tpu.memory_space<vmem>>, vector<128x128xf32>
    %dot_general3A = arith.constant dense<0.000000e+00> : vector<10000x128xf32>
    %dot_general3A_5 = tpu.matmul %get3A_1, %get3A_4, %dot_general3A {dimension_numbers = #tpu.dot_dimension_numbers<[0], [0], [1], [1], [0, 1, 1, 1], [], []>, transpose_lhs_hint = false} : vector<128x10000xf32>, vector<128x128xf32>, vector<10000x128xf32> -> vector<10000x128xf32>
    %get3A_6 = arith.constant 0 : index
    %get3A_7 = arith.constant 0 : index
    %get3A_8 = vector.load %arg2[%get3A_6, %get3A_7] : memref<1x128xf32, #tpu.memory_space<vmem>>, vector<1x128xf32>
    %add3A = vector.broadcast %get3A_8 : vector<1x128xf32> to vector<10000x128xf32>
    %add3A_9 = arith.addf %dot_general3A_5, %add3A : vector<10000x128xf32>
    %swap3A = arith.constant 0 : index
    %swap3A_10 = arith.constant 0 : index
    %swap3A_11 = vector.load %arg3[%swap3A, %swap3A_10] : memref<10000x128xf32, #tpu.memory_space<vmem>>, vector<10000x128xf32>
    tpu.vector_store %arg3[%swap3A, %swap3A_10], %add3A_9 {strides = array<i32>} : memref<10000x128xf32, #tpu.memory_space<vmem>>, vector<10000x128xf32>,
    return
  }
}

</mosaic_0001>

<sc_bundles>
// kernel: kernel.4.cloned.1.call-start
scs
__scs_entry_jumppad:
0x0: {  	(pc) =	sbr.rel $0x88, $3  }
0x1: {  	(tag) =	ssettag $0x0;
	lr =	simm.s32 $0x1  }
0x2: {  	[smem:$0x3F9D] =	sst lr;
	_ =	strace $0xD0000000  }
0x3: {  	_ = 	snop  }
0x4: {  	_ = 	snop  }
0x5: {  	_ = 	snop  }
0x6: {  	_ = 	snop  }
0x7: {  	_ = 	snop  }
__scs_overlays_trampoline_lowered:
0x8: {  	[smem:$0x3FAC] =	sst s0  }
0x9: {  	[smem:$0x3FAD] =	sst s1  }
0xa: {  	[smem:$0x3FAE] =	sst s2  }
0xb: {  	[smem:$0x3FAF] =	sst s3  }
0xc: {  	[smem:$0x3FB0] =	sst s4  }
0xd: {  	[smem:$0x3FB1] =	sst s5  }
0xe: {  	[smem:$0x3FB2] =	sst s6  }
0xf: {  	[smem:$0x3FB3] =	sst s7  }
0x10: {  	[smem:$0x3FB4] =	sst s8  }
0x11: {  	[smem:$0x3FB5] =	sst s9;
	s0 =	simm.s32 @!p0 $0x0  }
0x12: {  	s1 =	sld [smem:$0x3F9B];
	s0 =	simm.s32 @p0 $0x1  }
0x13: {  	[smem:$0x3FB6] =	sst s0;
	s0 =	simm.s32 @!p1 $0x0  }
0x14: {  	s2 =	sld [smem:$0x3F9A];
	s0 =	simm.s32 @p1 $0x1  }
0x15: {  	[smem:$0x3FB7] =	sst s0;
	s0 =	simm.s32 @!p2 $0x0  }
0x16: {  	s3 =	sld [smem:$0x3FDB];
	s0 =	simm.s32 @p2 $0x1  }
0x17: {  	s4 =	simm.s32 $0x1BF5;
	[smem:$0x3FB9] =	sst s0  }
0x18: {  	s0 =	sld [smem:$0x3F9C];
	_ =	swait.ge [sflag:s4], $0x0  }
0x19: {  	s7 =	sld [smem:$0x3F9D]  }
0x1a: {  	s8 =	sadd.s32 $0xFFFFE003, lr  }
0x1b: {  	s9 =	sadd.s32 $0xFFFFFEF7, lr;
	s5 =	simm.s32 $0xFFFFFFFF;
	p2 =	slt.u32 s8, $0xFFFFF086  }
0x1c: {  	p1 =	slt.u32 s9, $0xF7A;
	s5 =	simm.s32 @!p2 $0x0  }
0x1d: {  	s5 =	simm.s32 @p1 $0x1;
	p0 =	seq.s32 s7, s2  }
0x1e: {  	s7 =	smul.u32 @!p0 $0xF7A, s2;
	p2 =	seq.s32 @!p0 s5, $0x0  }
0x1f: {  	s9 =	smul.u32 $0xF7A, s1;
	s8 =	simm.s32 @!p0 $0x1BF5;
	p2 =	por !p2, p0  }
0x20: {  	[sflag:s8] =	ssyncset.s32 @!p0 $0xFFFFF086;
	s6 =	sadd.s32 @!p0 s3, s7;
	s7 =	simm.s32 @!p0 $0x108  }
0x21: {  	s3 =	sadd.s32 s3, s9;
	s6 =	sadd.s32 @!p0 $0x88, s6;
	s7 =	simm.s32 @p2 $0x1082  }
0x22: {  	[simem:s7], [sflag:s8] =	dma.local @!p0 [hbm:s6], $0xF7A  }
0x23: {  	s9 =	sor.u32 $0xD0000000, s2;
	s6 =	simm.s32 $0x108;
	_ =	swait.ge @!p0 [sflag:s8], $0x0  }
0x24: {  	s3 =	sadd.s32 $0x88, s3;
	s6 =	simm.s32 @!p1 $0x1082;
	[sflag:s4] =	ssyncset.s32 $0xFFFFF086  }
0x25: {  	[simem:s6], [sflag:s4] =	dma.local [hbm:s3], $0xF7A  }
0x26: {  	[smem:$0x3F9D] =	sst s1;
	(tag) =	ssettag s2;
	_ =	strace s9  }
0x27: {  	s1 =	sld [smem:$0x3FAD]  }
0x28: {  	s2 =	sld [smem:$0x3FAE]  }
0x29: {  	s4 =	sld [smem:$0x3FB0]  }
0x2a: {  	p0 =	seq.s32 s5, $0x0;
	s5 =	sld [smem:$0x3FB1]  }
0x2b: {  	s6 =	sld [smem:$0x3FB2]  }
0x2c: {  	s7 =	sld [smem:$0x3FB3]  }
0x2d: {  	s3 =	simm.s32 $0x108;
	s8 =	sld [smem:$0x3FB4]  }
0x2e: {  	s3 =	simm.s32 @!p0 $0x1082;
	s9 =	sld [smem:$0x3FB5]  }
0x2f: {  	lr =	sadd.s32 s0, s3;
	s0 =	sld [smem:$0x3FAC]  }
0x30: {  	s3 =	sld [smem:$0x3FAF]  }
0x31: {  	[smem:$0x3FB8] =	sst s10  }
0x32: {  	s10 =	sld [smem:$0x3FB6];
	_ =	sdelay $0x3  }
0x33: {  	p0 =	seq.s32 s10, $0x1;
	s10 =	sld [smem:$0x3FB8];
	_ =	sdelay $0x3  }
0x34: {  	[smem:$0x3FB8] =	sst s10  }
0x35: {  	s10 =	sld [smem:$0x3FB7];
	_ =	sdelay $0x3  }
0x36: {  	p1 =	seq.s32 s10, $0x1;
	s10 =	sld [smem:$0x3FB8];
	_ =	sdelay $0x3  }
0x37: {  	[smem:$0x3FB8] =	sst s10  }
0x38: {  	s10 =	sld [smem:$0x3FB9]  }
0x39: {  	_ = 	snop;
	(pc) =	sbr.ind lr, $3  }
0x3a: {  	_ = 	snop  }
0x3b: {  	_ = 	snop  }
0x3c: {  	p2 =	seq.s32 s10, $0x1;
	s10 =	sld [smem:$0x3FB8]  }
0x3d: {  	_ =	shalt  }
0x3e: {  	_ =	shalt  }
0x3f: {  	_ =	shalt  }
0x40: {  	_ =	shalt  }
0x41: {  	_ =	shalt  }
0x42: {  	_ =	shalt  }
0x43: {  	_ =	shalt  }
0x44: {  	_ =	shalt  }
0x45: {  	_ =	shalt  }
0x46: {  	_ =	shalt  }
0x47: {  	_ =	shalt  }
0x48: {  	_ =	shalt  }
0x49: {  	_ =	shalt  }
0x4a: {  	_ =	shalt  }
0x4b: {  	_ =	shalt  }
0x4c: {  	_ =	shalt  }
0x4d: {  	_ =	shalt  }
0x4e: {  	_ =	shalt  }
0x4f: {  	_ =	shalt  }
0x50: {  	_ =	shalt  }
0x51: {  	_ =	shalt  }
0x52: {  	_ =	shalt  }
0x53: {  	_ =	shalt  }
0x54: {  	_ =	shalt  }
0x55: {  	_ =	shalt  }
0x56: {  	_ =	shalt  }
0x57: {  	_ =	shalt  }
0x58: {  	_ =	shalt  }
0x59: {  	_ =	shalt  }
0x5a: {  	_ =	shalt  }
0x5b: {  	_ =	shalt  }
0x5c: {  	_ =	shalt  }
0x5d: {  	_ =	shalt  }
0x5e: {  	_ =	shalt  }
0x5f: {  	_ =	shalt  }
0x60: {  	_ =	shalt  }
0x61: {  	_ =	shalt  }
0x62: {  	_ =	shalt  }
0x63: {  	_ =	shalt  }
0x64: {  	_ =	shalt  }
0x65: {  	_ =	shalt  }
0x66: {  	_ =	shalt  }
0x67: {  	_ =	shalt  }
0x68: {  	_ =	shalt  }
0x69: {  	_ =	shalt  }
0x6a: {  	_ =	shalt  }
0x6b: {  	_ =	shalt  }
0x6c: {  	_ =	shalt  }
0x6d: {  	_ =	shalt  }
0x6e: {  	_ =	shalt  }
0x6f: {  	_ =	shalt  }
0x70: {  	_ =	shalt  }
0x71: {  	_ =	shalt  }
0x72: {  	_ =	shalt  }
0x73: {  	_ =	shalt  }
0x74: {  	_ =	shalt  }
0x75: {  	_ =	shalt  }
0x76: {  	_ =	shalt  }
0x77: {  	_ =	shalt  }
0x78: {  	_ =	shalt  }
0x79: {  	_ =	shalt  }
0x7a: {  	_ =	shalt  }
0x7b: {  	_ =	shalt  }
0x7c: {  	_ =	shalt  }
0x7d: {  	_ =	shalt  }
0x7e: {  	_ =	shalt  }
0x7f: {  	_ =	shalt  }
0x80: {  	_ =	shalt  }
0x81: {  	_ =	shalt  }
0x82: {  	_ =	shalt  }
0x83: {  	_ =	shalt  }
0x84: {  	_ =	shalt  }
0x85: {  	_ =	shalt  }
0x86: {  	_ =	shalt  }
0x87: {  	_ =	shalt  }
.Lfunc_end0:
.L_simem_size_0:
called_computation_lowered:
.L_overlay_start_0:
0x88: {  	s2 =	sld [smem:$0x3FD9]  }
0x89: {  	s3 =	sld [smem:$0x3FFE];
	_ =	sdelay $0x1  }
0x8a: {  	s1 =	srdreg.scid  }
0x8b: {  	s0 =	sand.u32 $0x1, s1  }
0x8c: {  	s17 =	sshll.u32 s0, $0xA;
	s2 =	sadd.s32 s3, s2  }
0x8d: {  	s2 =	sadd.s32 s2, s17  }
0x8e: {  	[smem:$0x3FC4] =	sst s2  }
0x8f: {  	_ = 	snop  }
0x90: {  	s2 =	sld [smem:$0x3FD0];
	(tm) =	ssettm $0x1  }
0x91: {  	s18 =	sld [smem:$0x3FFB];
	_ =	sdelay $0x3  }
0x92: {  	_ =	strace s18  }
0x93: {  	s3 =	sld [smem:$0x3FFC];
	_ =	sdelay $0x3  }
0x94: {  	_ =	strace s3  }
0x95: {  	s3 =	sld [smem:$0x3FFD];
	_ =	sdelay $0x3  }
0x96: {  	_ =	strace s3  }
0x97: {  	_ =	strace $0x8FFFFFFF  }
0x98: {  	s19 =	sld [smem:$0x3FDB];
	_ =	sdelay $0x1  }
0x99: {  	s4 =	simm.s32 $_scs_section_size  }
0x9a: {  	s5 =	simm.s32 $_size__tile_overlayer_lowered;
	s6 =	simm.s32 $_tile_overlayer_lowered  }
0x9b: {  	s22 =	simm.s32 $0x1BFF;
	s21 =	sshll.u32 s6, $0x1;
	s3 =	sadd.s32 s4, s19  }
0x9c: {  	s7 =	simm.s32 $0x0;
	s20 =	sshll.u32 s5, $0x1;
	s5 =	sadd.s32 s21, s3  }
0x9d: {  	[timem:s7], [sflag:s22] =	dma.local [hbm:s5], s20  }
0x9e: {  	_ =	swait.ge [sflag:s22], s20  }
0x9f: {  	s4 =	ssub.s32 $0x0, s20;
	[sflag:s22] =	ssyncset.done $0x0  }
0xa0: {  	[sflag:s22] =	ssyncadd.s32 s4;
	_ =	sdelay $0x1  }
0xa1: {  	s23 =	simm.s32 $0x1B8B  }
0xa2: {  	_ =	swait.ge [sflag:s23], $0x1  }
0xa3: {  	[sflag:s23] =	ssyncset.done $0x0  }
0xa4: {  	s25 =	simm.s32 $0x1B8E;
	s24 =	sld [smem:$0x3FFE];
	[sflag:s23] =	ssyncadd.s32 $0xFFFFFFFF  }
0xa5: {  	s26 =	simm.s32 $execute0_lowered;
	[smem:$0x3FD2] =	sst s25  }
0xa6: {  	s5 =	sshll.u32 s26, $0x1;
	_ =	strace $0x80000046;
	[dreg:$0x1] =	wrdreg $0xFFFFFFFF  }
0xa7: {  	s28 =	simm.s32 $_size_execute0_lowered;
	s3 =	sadd.s32 s3, s5;
	[dreg:$0x0] =	wrdreg $0x0  }
0xa8: {  	s5 =	sshll.u32 s28, $0x1;
	[dreg:$0x2] =	wrdreg s3  }
0xa9: {  	[dreg:$0x3] =	wrdreg s5  }
0xaa: {  	[dreg:$0x4] =	wrdreg $0xC0  }
0xab: {  	_ =	task [dreg:s7], $0x5FFFF  }
0xac: {  	[dreg:$0x1] =	wrdreg $0xFFFFFFFF  }
0xad: {  	[dreg:$0x0] =	wrdreg $0x60  }
0xae: {  	[dreg:$0x2] =	wrdreg s2  }
0xaf: {  	[dreg:$0x3] =	wrdreg s24  }
0xb0: {  	[dreg:$0x4] =	wrdreg $0x9  }
0xb1: {  	_ =	task.clear_ibuf [dreg:s7], $0x5FFFF;
	_ =	strace $0x90000046  }
0xb2: {  	s29 =	simm.s32 $0x9;
	_ =	strace $0x80000048  }
0xb3: {  	_ =	swait.ge [sflag:s29], $0x1  }
0xb4: {  	[sflag:s29] =	ssyncadd.s32 $0xFFFFFFFF  }
0xb5: {  	_ =	strace $0x90000048  }
0xb6: {  	_ =	sfence  }
0xb7: {  	s30 =	sld [smem:$0x0];
	_ =	sdelay $0x2  }
0xb8: {  	s31 =	sshll.u32 s1, $0xD;
	s1 =	sshrl.u32 s1, $0x2  }
0xb9: {  	s3 =	sand.u32 $0x4000, s31;
	s1 =	sadd.s32 s1, s30  }
0xba: {  	s0 =	sor.u32 s3, s0;
	s1 =	sshll.u32 s1, $0x11  }
0xbb: {  	s0 =	sor.u32 s1, s0  }
0xbc: {  	s0 =	sadd.s32 $0x8F2B, s0  }
0xbd: {  	[sflag:s0] =	ssyncadd.remote.s32 $0x1  }
0xbe: {  	_ =	sfence.sel $0xFFFF  }
0xbf: {  	[dreg:$0x0] =	wrdreg $0xFFFFFFFF;
	(pc) =	sbr.abs _section_cstart, $3  }
0xc0: {  	[dreg:$0x1] =	wrdreg $0xFFFFFFFF  }
0xc1: {  	_ =	task.clear_ibuf [dreg:s7], $0x2FFFF;
	_ =	strace $0x9FFFFFFF  }
0xc2: {  	(tm) =	ssettm $0x7FFFFFFF  }
0xc3: {  	_ =	shalt  }
tec
execute0_lowered:
.L_overlay_start_1:
0x0: {  	(tag) =	ssettag $0x1  }
0x1: {  	s0 =	rddreg [dreg:$0x0];
	s1 =	srdreg.scid  }
0x2: {  	s2 =	stileid.u32;
	s5 =	rddreg [dreg:$0x1];
	s14 =	simm.s32 $0x2780  }
0x3: {  	s15 =	simm.s32 $0x4F00;
	s16 =	simm.s32 $0x7680;
	s17 =	simm.s32 $0x1  }
0x4: {  	s18 =	simm.s32 $0x13C00;
	s19 =	simm.s32 $0x15B80;
	s20 =	simm.s32 $0x17B00  }
0x5: {  	s21 =	simm.s32 $0x19A80;
	s22 =	simm.s32 $0x2;
	s23 =	simm.s32 $0x9E00  }
0x6: {  	s28 =	simm.s32 $0x3;
	s29 =	simm.s32 $0x4;
	s30 =	simm.s32 $0x0  }
0x7: {  	s31 =	simm.s32 $0x0;
	s1 =	sand.u32 $0x1, s1;
	s3 =	sshll.u32 s2, $0x1  }
0x8: {  	s2 =	simm.s32 $0x0;
	s4 =	sadd.s32 $0x200, s5;
	s3 =	sor.u32 s1, s3  }
0x9: {  	[smem:$0x7FF] =	sst s2;
	s1 =	ssub.s32 $0x2, s1;
	s6 =	smul.u32 $0x9C40, s3  }
0xa: {  	_ =	strace $0x80000047;
	s3 =	sadd.s32 $0xA000, s5;
	s7 =	sshrl.u32 s1, $0x1  }
0xb: {  	s5 =	sadd.s32 $0x13E00, s5;
	s1 =	ssub.s32 s1, s7;
	s6 =	sshrl.u32 s6, $0x3  }
0xc: {  	s13 =	smax.u32 s1, $0x1;
	s24 =	sadd.s32 s0, s6;
	s25 =	sadd.s32 $0x4E2, s6  }
0xd: {  	s11 =	sadd.s32 $0x9C4, s6;
	s12 =	sadd.s32 $0xEA6, s6;
	s9 =	sadd.s32 s5, s6  }
0xe: {  	[dreg:$0x3] =	wrdreg s24;
	s8 =	sadd.s32 s0, s25;
	s26 =	sadd.s32 s0, s11  }
0xf: {  	s10 =	sadd.s32 s5, s25;
	s11 =	sadd.s32 s5, s11;
	[dreg:$0x4] =	wrdreg s8  }
0x10: {  	s24 =	simm.s32 $0xC580;
	s25 =	simm.s32 $0xED00;
	[dreg:$0x5] =	wrdreg s26  }
0x11: {  	v0 =	vimm.f32 $0.0e+00;
	s8 =	sadd.s32 s0, s12;
	s12 =	sadd.s32 s5, s12;
	s26 =	simm.s32 $0x11480  }
.LBB2_1:
0x12: {  	s0 =	rddreg [dreg:$0x3]  }
0x13: {  	[tilespmem:s2], [sflag:$0x1] =	stream.linear.gather [hbm4b:s0+s2], $0x2710, $0x38;
	[tilespmem:$0x1BA00] =	vst v63  }
0x14: {  	s6 =	rddreg [dreg:$0x4]  }
0x15: {  	[tilespmem:s14], [sflag:$0x1] =	stream.linear.gather [hbm4b:s6+s2], $0x2710, $0x38;
	[tilespmem:$0x1BA00] =	vst v63  }
0x16: {  	s7 =	rddreg [dreg:$0x5]  }
0x17: {  	[tilespmem:s15], [sflag:$0x1] =	stream.linear.gather [hbm4b:s7+s2], $0x2710, $0x38;
	[tilespmem:$0x1BA00] =	vst v63  }
0x18: {  	s1 =	simm.s32 $0x40;
	s0 =	simm.s32 $0x0  }
0x19: {  	[tilespmem:s16], [sflag:$0x1] =	stream.linear.gather [hbm4b:s8+s2], $0x2710, $0x38;
	[tilespmem:$0x1BA00] =	vst v63  }
.LBB2_2:
0x1a: {  	p0 =	sne.s32 s1, $0x9C00;
	[tilespmem:s0+$0x11480] =	vst v0;
	s5 =	smov.u32 s1;
	s1 =	sadd.s32 $0x40, s1  }
.Ltmp0:
0x1b: {  	[tilespmem:s0+$0xED00] =	vst v0;
	(pc) =	sbr.rel @p0 .LBB2_2-.Ltmp0, $3  }
0x1c: {  	[tilespmem:s0+$0x9E00] =	vst v0  }
0x1d: {  	[tilespmem:s0+$0xC580] =	vst v0;
	_ =	sdelay $0x1  }
0x1e: {  	s0 =	sshra.s32 s5, $0x2  }
0x1f: {  	[tilespmem:s0+$0x11480] =	vst v0  }
0x20: {  	[tilespmem:s0+$0xED00] =	vst v0  }
0x21: {  	[tilespmem:s0+$0x9E00] =	vst v0  }
0x22: {  	[tilespmem:s0+$0xC580] =	vst v0  }
0x23: {  	_ =	swait.ge [sflag:s17], $0x2710  }
0x24: {  	[sflag:s17] =	ssyncset.done $0x0  }
0x25: {  	[sflag:s17] =	ssyncadd.s32 $0xFFFFD8F0  }
0x26: {  	_ =	swait.ge [sflag:s17], $0x2710  }
0x27: {  	[sflag:s17] =	ssyncset.done $0x0  }
0x28: {  	[sflag:s17] =	ssyncadd.s32 $0xFFFFD8F0  }
0x29: {  	_ =	swait.ge [sflag:s17], $0x2710  }
0x2a: {  	[sflag:s17] =	ssyncset.done $0x0  }
0x2b: {  	[sflag:s17] =	ssyncadd.s32 $0xFFFFD8F0  }
0x2c: {  	_ =	swait.ge [sflag:s17], $0x2710  }
0x2d: {  	[sflag:s17] =	ssyncset.done $0x0  }
0x2e: {  	[sflag:s17] =	ssyncadd.s32 $0xFFFFD8F0  }
0x2f: {  	[tilespmem:s18], [sflag:$0x2] =	stream.linear.gather [hbm4b:s3+s31], $0x1F40, $0x38;
	[tilespmem:$0x1BA00] =	vst v63  }
0x30: {  	s1 =	simm.s32 $0x0  }
0x31: {  	[tilespmem:s19], [sflag:$0x2] =	stream.linear.gather [hbm4b:s4+s31], $0x1F40, $0x38;
	[tilespmem:$0x1BA00] =	vst v63  }
.LBB2_4:
0x32: {  	s0 =	smul.u32 $0x3E80, s1;
	_ =	sdelay $0x1  }
0x33: {  	s0 =	sshrl.u32 s0, $0x3  }
0x34: {  	s0 =	sadd.s32 $0x3E8, s0  }
0x35: {  	s5 =	sadd.s32 s3, s0  }
0x36: {  	[tilespmem:s20], [sflag:$0x3] =	stream.linear.gather [hbm4b:s5+s2], $0x1F40, $0x38;
	[tilespmem:$0x1BA00] =	vst v63  }
0x37: {  	s0 =	sadd.s32 s4, s0  }
0x38: {  	[tilespmem:s21], [sflag:$0x3] =	stream.linear.gather [hbm4b:s0+s2], $0x1F40, $0x38;
	[tilespmem:$0x1BA00] =	vst v63  }
0x39: {  	_ =	swait.ge [sflag:s22], $0x1F40  }
0x3a: {  	[sflag:s22] =	ssyncset.done $0x0  }
0x3b: {  	[sflag:s22] =	ssyncadd.s32 $0xFFFFE0C0  }
0x3c: {  	_ =	swait.ge [sflag:s22], $0x1F40  }
0x3d: {  	[sflag:s22] =	ssyncset.done $0x0  }
0x3e: {  	s7 =	simm.s32 $0x13C80;
	[sflag:s22] =	ssyncadd.s32 $0xFFFFE0C0  }
0x3f: {  	v7 =	vld [tilespmem:s7+$0x70]  }
0x40: {  	v1 =	vld [tilespmem:s7+$0xFFFFFF90]  }
0x41: {  	v2 =	vld [tilespmem:s7+$0xFFFFFFA0]  }
0x42: {  	v3 =	vld [tilespmem:s7+$0xFFFFFFB0]  }
0x43: {  	v4 =	vld [tilespmem:s7+$0xFFFFFFC0]  }
0x44: {  	s0 =	simm.s32 $0x15C00;
	v5 =	vld [tilespmem:s7+$0xFFFFFFD0]  }
0x45: {  	v8 =	vld [tilespmem:s0+$0x70]  }
0x46: {  	v6 =	vld [tilespmem:s7+$0xFFFFFFE0]  }
0x47: {  	v10 =	vld [tilespmem:s7+$0xFFFFFFF0]  }
0x48: {  	v11 =	vld [tilespmem:s7+$0x0]  }
0x49: {  	v12 =	vld [tilespmem:s7+$0x10]  }
0x4a: {  	v13 =	vld [tilespmem:s7+$0x20]  }
0x4b: {  	v14 =	vld [tilespmem:s7+$0x30]  }
0x4c: {  	v15 =	vld [tilespmem:s7+$0x40]  }
0x4d: {  	v16 =	vld [tilespmem:s7+$0x50]  }
0x4e: {  	v17 =	vld [tilespmem:s7+$0x60]  }
0x4f: {  	v18 =	vld [tilespmem:s7+$0xFFFFFF80]  }
0x50: {  	v31 =	vld [tilespmem:s0+$0xFFFFFF80]  }
0x51: {  	v32 =	vld [tilespmem:s0+$0xFFFFFF90]  }
0x52: {  	v33 =	vld [tilespmem:s0+$0xFFFFFFA0]  }
0x53: {  	v34 =	vld [tilespmem:s0+$0xFFFFFFB0]  }
0x54: {  	v35 =	vld [tilespmem:s0+$0xFFFFFFC0]  }
0x55: {  	v36 =	vld [tilespmem:s0+$0xFFFFFFD0]  }
0x56: {  	v37 =	vld [tilespmem:s0+$0xFFFFFFE0]  }
0x57: {  	v38 =	vld [tilespmem:s0+$0xFFFFFFF0]  }
0x58: {  	v39 =	vld [tilespmem:s0+$0x0]  }
0x59: {  	v40 =	vld [tilespmem:s0+$0x10]  }
0x5a: {  	v41 =	vld [tilespmem:s0+$0x20]  }
0x5b: {  	v42 =	vld [tilespmem:s0+$0x30]  }
0x5c: {  	v43 =	vld [tilespmem:s0+$0x40]  }
0x5d: {  	v44 =	vld [tilespmem:s0+$0x50]  }
0x5e: {  	v45 =	vld [tilespmem:s0+$0x60]  }
0x5f: {  	v9 =	vld.idx.msk [tilespmem:v7+s31+$0x0], $0xffff  }
0x60: {  	v19 =	vld.idx.msk [tilespmem:v1+s31+$0x0], $0xffff  }
0x61: {  	v20 =	vld.idx.msk [tilespmem:v2+s31+$0x0], $0xffff  }
0x62: {  	v21 =	vld.idx.msk [tilespmem:v3+s31+$0x0], $0xffff  }
0x63: {  	v22 =	vld.idx.msk [tilespmem:v4+s31+$0x0], $0xffff  }
0x64: {  	v23 =	vld.idx.msk [tilespmem:v5+s31+$0x0], $0xffff  }
0x65: {  	v24 =	vld.idx.msk [tilespmem:v18+s31+$0x0], $0xffff  }
0x66: {  	v58 =	vld.idx.msk [tilespmem:v6+s31+$0x0], $0xffff  }
0x67: {  	v25 =	vld.idx.msk [tilespmem:v10+s31+$0x0], $0xffff  }
0x68: {  	v26 =	vld.idx.msk [tilespmem:v11+s31+$0x0], $0xffff  }
0x69: {  	v27 =	vld.idx.msk [tilespmem:v12+s31+$0x0], $0xffff  }
0x6a: {  	v28 =	vld.idx.msk [tilespmem:v13+s31+$0x0], $0xffff  }
0x6b: {  	v59 =	vld.idx.msk [tilespmem:v14+s31+$0x0], $0xffff  }
0x6c: {  	v60 =	vld.idx.msk [tilespmem:v15+s31+$0x0], $0xffff  }
0x6d: {  	v29 =	vld.idx.msk [tilespmem:v16+s31+$0x0], $0xffff  }
0x6e: {  	v30 =	vld.idx.msk [tilespmem:v17+s31+$0x0], $0xffff  }
0x6f: {  	[tilespmem:v8+s23+$0x0] =	vst.idx.add.f32.msk $0xffff, v9  }
0x70: {  	[tilespmem:v31+s23+$0x0] =	vst.idx.add.f32.msk $0xffff, v24  }
0x71: {  	[tilespmem:v32+s23+$0x0] =	vst.idx.add.f32.msk $0xffff, v19  }
0x72: {  	[tilespmem:v33+s23+$0x0] =	vst.idx.add.f32.msk $0xffff, v20  }
0x73: {  	[tilespmem:v34+s23+$0x0] =	vst.idx.add.f32.msk $0xffff, v21  }
0x74: {  	[tilespmem:v35+s23+$0x0] =	vst.idx.add.f32.msk $0xffff, v22  }
0x75: {  	[tilespmem:v36+s23+$0x0] =	vst.idx.add.f32.msk $0xffff, v23  }
0x76: {  	[tilespmem:v37+s23+$0x0] =	vst.idx.add.f32.msk $0xffff, v58  }
0x77: {  	[tilespmem:v38+s23+$0x0] =	vst.idx.add.f32.msk $0xffff, v25  }
0x78: {  	[tilespmem:v39+s23+$0x0] =	vst.idx.add.f32.msk $0xffff, v26  }
0x79: {  	[tilespmem:v40+s23+$0x0] =	vst.idx.add.f32.msk $0xffff, v27  }
0x7a: {  	[tilespmem:v41+s23+$0x0] =	vst.idx.add.f32.msk $0xffff, v28  }
0x7b: {  	[tilespmem:v42+s23+$0x0] =	vst.idx.add.f32.msk $0xffff, v59  }
0x7c: {  	[tilespmem:v43+s23+$0x0] =	vst.idx.add.f32.msk $0xffff, v60  }
0x7d: {  	[tilespmem:v44+s23+$0x0] =	vst.idx.add.f32.msk $0xffff, v29  }
0x7e: {  	[tilespmem:v45+s23+$0x0] =	vst.idx.add.f32.msk $0xffff, v30  }
0x7f: {  	v9 =	vld.idx.msk [tilespmem:v7+s14+$0x0], $0xffff  }
0x80: {  	v61 =	vld.idx.msk [tilespmem:v18+s14+$0x0], $0xffff  }
0x81: {  	v62 =	vld.idx.msk [tilespmem:v1+s14+$0x0], $0xffff  }
0x82: {  	v63 =	vld.idx.msk [tilespmem:v2+s14+$0x0], $0xffff  }
0x83: {  	v46 =	vld.idx.msk [tilespmem:v3+s14+$0x0], $0xffff  }
0x84: {  	v47 =	vld.idx.msk [tilespmem:v4+s14+$0x0], $0xffff  }
0x85: {  	v48 =	vld.idx.msk [tilespmem:v5+s14+$0x0], $0xffff  }
0x86: {  	v49 =	vld.idx.msk [tilespmem:v6+s14+$0x0], $0xffff  }
0x87: {  	v50 =	vld.idx.msk [tilespmem:v10+s14+$0x0], $0xffff  }
0x88: {  	v51 =	vld.idx.msk [tilespmem:v11+s14+$0x0], $0xffff  }
0x89: {  	v52 =	vld.idx.msk [tilespmem:v12+s14+$0x0], $0xffff  }
0x8a: {  	v53 =	vld.idx.msk [tilespmem:v13+s14+$0x0], $0xffff  }
0x8b: {  	v54 =	vld.idx.msk [tilespmem:v14+s14+$0x0], $0xffff  }
0x8c: {  	v55 =	vld.idx.msk [tilespmem:v15+s14+$0x0], $0xffff  }
0x8d: {  	v29 =	vld.idx.msk [tilespmem:v16+s14+$0x0], $0xffff  }
0x8e: {  	v30 =	vld.idx.msk [tilespmem:v17+s14+$0x0], $0xffff  }
0x8f: {  	[tilespmem:v8+s24+$0x0] =	vst.idx.add.f32.msk $0xffff, v9  }
0x90: {  	[tilespmem:v31+s24+$0x0] =	vst.idx.add.f32.msk $0xffff, v61  }
0x91: {  	[tilespmem:v32+s24+$0x0] =	vst.idx.add.f32.msk $0xffff, v62  }
0x92: {  	[tilespmem:v33+s24+$0x0] =	vst.idx.add.f32.msk $0xffff, v63  }
0x93: {  	[tilespmem:v34+s24+$0x0] =	vst.idx.add.f32.msk $0xffff, v46  }
0x94: {  	[tilespmem:v35+s24+$0x0] =	vst.idx.add.f32.msk $0xffff, v47  }
0x95: {  	[tilespmem:v36+s24+$0x0] =	vst.idx.add.f32.msk $0xffff, v48  }
0x96: {  	[tilespmem:v37+s24+$0x0] =	vst.idx.add.f32.msk $0xffff, v49  }
0x97: {  	[tilespmem:v38+s24+$0x0] =	vst.idx.add.f32.msk $0xffff, v50  }
0x98: {  	[tilespmem:v39+s24+$0x0] =	vst.idx.add.f32.msk $0xffff, v51  }
0x99: {  	[tilespmem:v40+s24+$0x0] =	vst.idx.add.f32.msk $0xffff, v52  }
0x9a: {  	[tilespmem:v41+s24+$0x0] =	vst.idx.add.f32.msk $0xffff, v53  }
0x9b: {  	[tilespmem:v42+s24+$0x0] =	vst.idx.add.f32.msk $0xffff, v54  }
0x9c: {  	[tilespmem:v43+s24+$0x0] =	vst.idx.add.f32.msk $0xffff, v55  }
0x9d: {  	[tilespmem:v44+s24+$0x0] =	vst.idx.add.f32.msk $0xffff, v29  }
0x9e: {  	[tilespmem:v45+s24+$0x0] =	vst.idx.add.f32.msk $0xffff, v30  }
0x9f: {  	v9 =	vld.idx.msk [tilespmem:v7+s15+$0x0], $0xffff  }
0xa0: {  	v19 =	vld.idx.msk [tilespmem:v3+s15+$0x0], $0xffff  }
0xa1: {  	v20 =	vld.idx.msk [tilespmem:v4+s15+$0x0], $0xffff  }
0xa2: {  	v21 =	vld.idx.msk [tilespmem:v5+s15+$0x0], $0xffff  }
0xa3: {  	v22 =	vld.idx.msk [tilespmem:v6+s15+$0x0], $0xffff  }
0xa4: {  	v23 =	vld.idx.msk [tilespmem:v10+s15+$0x0], $0xffff  }
0xa5: {  	v24 =	vld.idx.msk [tilespmem:v11+s15+$0x0], $0xffff  }
0xa6: {  	v25 =	vld.idx.msk [tilespmem:v12+s15+$0x0], $0xffff  }
0xa7: {  	v26 =	vld.idx.msk [tilespmem:v13+s15+$0x0], $0xffff  }
0xa8: {  	v27 =	vld.idx.msk [tilespmem:v14+s15+$0x0], $0xffff  }
0xa9: {  	v28 =	vld.idx.msk [tilespmem:v15+s15+$0x0], $0xffff  }
0xaa: {  	v29 =	vld.idx.msk [tilespmem:v16+s15+$0x0], $0xffff  }
0xab: {  	v30 =	vld.idx.msk [tilespmem:v17+s15+$0x0], $0xffff  }
0xac: {  	[tilespmem:v8+s25+$0x0] =	vst.idx.add.f32.msk $0xffff, v9  }
0xad: {  	v9 =	vld.idx.msk [tilespmem:v2+s15+$0x0], $0xffff  }
0xae: {  	[tilespmem:v34+s25+$0x0] =	vst.idx.add.f32.msk $0xffff, v19  }
0xaf: {  	[tilespmem:v35+s25+$0x0] =	vst.idx.add.f32.msk $0xffff, v20  }
0xb0: {  	[tilespmem:v36+s25+$0x0] =	vst.idx.add.f32.msk $0xffff, v21  }
0xb1: {  	[tilespmem:v37+s25+$0x0] =	vst.idx.add.f32.msk $0xffff, v22  }
0xb2: {  	[tilespmem:v38+s25+$0x0] =	vst.idx.add.f32.msk $0xffff, v23  }
0xb3: {  	[tilespmem:v39+s25+$0x0] =	vst.idx.add.f32.msk $0xffff, v24  }
0xb4: {  	[tilespmem:v40+s25+$0x0] =	vst.idx.add.f32.msk $0xffff, v25  }
0xb5: {  	[tilespmem:v41+s25+$0x0] =	vst.idx.add.f32.msk $0xffff, v26  }
0xb6: {  	[tilespmem:v42+s25+$0x0] =	vst.idx.add.f32.msk $0xffff, v27  }
0xb7: {  	[tilespmem:v43+s25+$0x0] =	vst.idx.add.f32.msk $0xffff, v28  }
0xb8: {  	[tilespmem:v44+s25+$0x0] =	vst.idx.add.f32.msk $0xffff, v29  }
0xb9: {  	[tilespmem:v45+s25+$0x0] =	vst.idx.add.f32.msk $0xffff, v30  }
0xba: {  	v7 =	vld.idx.msk [tilespmem:v7+s16+$0x0], $0xffff  }
0xbb: {  	v3 =	vld.idx.msk [tilespmem:v3+s16+$0x0], $0xffff  }
0xbc: {  	v4 =	vld.idx.msk [tilespmem:v4+s16+$0x0], $0xffff  }
0xbd: {  	v5 =	vld.idx.msk [tilespmem:v5+s16+$0x0], $0xffff  }
0xbe: {  	v6 =	vld.idx.msk [tilespmem:v6+s16+$0x0], $0xffff  }
0xbf: {  	v56 =	vld.idx.msk [tilespmem:v10+s16+$0x0], $0xffff  }
0xc0: {  	v57 =	vld.idx.msk [tilespmem:v11+s16+$0x0], $0xffff  }
0xc1: {  	v58 =	vld.idx.msk [tilespmem:v12+s16+$0x0], $0xffff  }
0xc2: {  	v59 =	vld.idx.msk [tilespmem:v13+s16+$0x0], $0xffff  }
0xc3: {  	v60 =	vld.idx.msk [tilespmem:v14+s16+$0x0], $0xffff  }
0xc4: {  	v61 =	vld.idx.msk [tilespmem:v15+s16+$0x0], $0xffff  }
0xc5: {  	v62 =	vld.idx.msk [tilespmem:v16+s16+$0x0], $0xffff  }
0xc6: {  	v63 =	vld.idx.msk [tilespmem:v17+s16+$0x0], $0xffff  }
0xc7: {  	[tilespmem:v33+s25+$0x0] =	vst.idx.add.f32.msk $0xffff, v9  }
0xc8: {  	[tilespmem:v8+s26+$0x0] =	vst.idx.add.f32.msk $0xffff, v7  }
0xc9: {  	v7 =	vld.idx.msk [tilespmem:v18+s15+$0x0], $0xffff  }
0xca: {  	v8 =	vld.idx.msk [tilespmem:v1+s15+$0x0], $0xffff  }
0xcb: {  	v2 =	vld.idx.msk [tilespmem:v2+s16+$0x0], $0xffff  }
0xcc: {  	[tilespmem:v34+s26+$0x0] =	vst.idx.add.f32.msk $0xffff, v3  }
0xcd: {  	[tilespmem:v35+s26+$0x0] =	vst.idx.add.f32.msk $0xffff, v4  }
0xce: {  	[tilespmem:v36+s26+$0x0] =	vst.idx.add.f32.msk $0xffff, v5  }
0xcf: {  	[tilespmem:v37+s26+$0x0] =	vst.idx.add.f32.msk $0xffff, v6  }
0xd0: {  	[tilespmem:v38+s26+$0x0] =	vst.idx.add.f32.msk $0xffff, v56  }
0xd1: {  	[tilespmem:v39+s26+$0x0] =	vst.idx.add.f32.msk $0xffff, v57  }
0xd2: {  	[tilespmem:v40+s26+$0x0] =	vst.idx.add.f32.msk $0xffff, v58  }
0xd3: {  	[tilespmem:v41+s26+$0x0] =	vst.idx.add.f32.msk $0xffff, v59  }
0xd4: {  	[tilespmem:v42+s26+$0x0] =	vst.idx.add.f32.msk $0xffff, v60  }
0xd5: {  	[tilespmem:v43+s26+$0x0] =	vst.idx.add.f32.msk $0xffff, v61  }
0xd6: {  	[tilespmem:v31+s25+$0x0] =	vst.idx.add.f32.msk $0xffff, v7  }
0xd7: {  	[tilespmem:v32+s25+$0x0] =	vst.idx.add.f32.msk $0xffff, v8  }
0xd8: {  	v7 =	vld.idx.msk [tilespmem:v18+s16+$0x0], $0xffff  }
0xd9: {  	v1 =	vld.idx.msk [tilespmem:v1+s16+$0x0], $0xffff  }
0xda: {  	[tilespmem:v44+s26+$0x0] =	vst.idx.add.f32.msk $0xffff, v62  }
0xdb: {  	[tilespmem:v45+s26+$0x0] =	vst.idx.add.f32.msk $0xffff, v63  }
0xdc: {  	[tilespmem:v33+s26+$0x0] =	vst.idx.add.f32.msk $0xffff, v2  }
0xdd: {  	[tilespmem:v31+s26+$0x0] =	vst.idx.add.f32.msk $0xffff, v7  }
0xde: {  	s6 =	simm.s32 $0x13D80;
	s5 =	simm.s32 $0x0;
	[tilespmem:v32+s26+$0x0] =	vst.idx.add.f32.msk $0xffff, v1  }
.LBB2_5:
0xdf: {  	v16 =	vld [tilespmem:s6+$0x70];
	s5 =	sadd.s32 $0x10, s5  }
0xe0: {  	v1 =	vld [tilespmem:s6+$0xFFFFFF90];
	p0 =	slt.u32 s5, $0x1E0  }
0xe1: {  	v2 =	vld [tilespmem:s6+$0xFFFFFFA0]  }
0xe2: {  	v3 =	vld [tilespmem:s6+$0xFFFFFFB0]  }
0xe3: {  	v4 =	vld [tilespmem:s6+$0xFFFFFFC0]  }
0xe4: {  	s0 =	sadd.s32 $0x100, s0;
	v5 =	vld [tilespmem:s6+$0xFFFFFFD0]  }
0xe5: {  	v17 =	vld [tilespmem:s0+$0x70]  }
0xe6: {  	s7 =	simm.s32 $0x0;
	v6 =	vld [tilespmem:s6+$0xFFFFFFE0]  }
0xe7: {  	v12 =	vld.idx.msk [tilespmem:v16+s7+$0x0], $0xffff  }
0xe8: {  	v7 =	vld [tilespmem:s6+$0xFFFFFFF0]  }
0xe9: {  	v8 =	vld [tilespmem:s6+$0x0]  }
0xea: {  	v9 =	vld [tilespmem:s6+$0x10]  }
0xeb: {  	v10 =	vld [tilespmem:s6+$0x20]  }
0xec: {  	v11 =	vld [tilespmem:s6+$0x30]  }
0xed: {  	[tilespmem:v17+s23+$0x0] =	vst.idx.add.f32.msk $0xffff, v12  }
0xee: {  	v18 =	vld.idx.msk [tilespmem:v16+s14+$0x0], $0xffff  }
0xef: {  	v12 =	vld [tilespmem:s6+$0x40]  }
0xf0: {  	v13 =	vld [tilespmem:s6+$0x50]  }
0xf1: {  	v14 =	vld [tilespmem:s6+$0x60]  }
0xf2: {  	v15 =	vld [tilespmem:s6+$0xFFFFFF80]  }
0xf3: {  	v31 =	vld.idx.msk [tilespmem:v1+s7+$0x0], $0xffff  }
0xf4: {  	[tilespmem:v17+s24+$0x0] =	vst.idx.add.f32.msk $0xffff, v18  }
0xf5: {  	v18 =	vld.idx.msk [tilespmem:v16+s15+$0x0], $0xffff  }
0xf6: {  	v32 =	vld.idx.msk [tilespmem:v2+s7+$0x0], $0xffff  }
0xf7: {  	v33 =	vld.idx.msk [tilespmem:v3+s7+$0x0], $0xffff  }
0xf8: {  	v34 =	vld.idx.msk [tilespmem:v4+s7+$0x0], $0xffff  }
0xf9: {  	v35 =	vld.idx.msk [tilespmem:v5+s7+$0x0], $0xffff  }
0xfa: {  	v36 =	vld.idx.msk [tilespmem:v15+s7+$0x0], $0xffff  }
0xfb: {  	[tilespmem:v17+s25+$0x0] =	vst.idx.add.f32.msk $0xffff, v18  }
0xfc: {  	v16 =	vld.idx.msk [tilespmem:v16+s16+$0x0], $0xffff  }
0xfd: {  	v37 =	vld.idx.msk [tilespmem:v6+s7+$0x0], $0xffff  }
0xfe: {  	v38 =	vld.idx.msk [tilespmem:v7+s7+$0x0], $0xffff  }
0xff: {  	v39 =	vld.idx.msk [tilespmem:v8+s7+$0x0], $0xffff  }
0x100: {  	v40 =	vld.idx.msk [tilespmem:v9+s7+$0x0], $0xffff  }
0x101: {  	v41 =	vld.idx.msk [tilespmem:v10+s7+$0x0], $0xffff  }
0x102: {  	[tilespmem:v17+s26+$0x0] =	vst.idx.add.f32.msk $0xffff, v16  }
0x103: {  	v42 =	vld.idx.msk [tilespmem:v11+s7+$0x0], $0xffff  }
0x104: {  	v43 =	vld.idx.msk [tilespmem:v12+s7+$0x0], $0xffff  }
0x105: {  	v44 =	vld.idx.msk [tilespmem:v13+s7+$0x0], $0xffff  }
0x106: {  	v45 =	vld.idx.msk [tilespmem:v14+s7+$0x0], $0xffff  }
0x107: {  	v16 =	vld [tilespmem:s0+$0xFFFFFF80]  }
0x108: {  	v17 =	vld [tilespmem:s0+$0xFFFFFF90]  }
0x109: {  	v18 =	vld [tilespmem:s0+$0xFFFFFFA0]  }
0x10a: {  	v19 =	vld [tilespmem:s0+$0xFFFFFFB0]  }
0x10b: {  	v20 =	vld [tilespmem:s0+$0xFFFFFFC0]  }
0x10c: {  	v21 =	vld [tilespmem:s0+$0xFFFFFFD0]  }
0x10d: {  	v22 =	vld [tilespmem:s0+$0xFFFFFFE0]  }
0x10e: {  	v23 =	vld [tilespmem:s0+$0xFFFFFFF0]  }
0x10f: {  	v24 =	vld [tilespmem:s0+$0x0]  }
0x110: {  	v25 =	vld [tilespmem:s0+$0x10]  }
0x111: {  	v26 =	vld [tilespmem:s0+$0x20]  }
0x112: {  	v27 =	vld [tilespmem:s0+$0x30]  }
0x113: {  	v28 =	vld [tilespmem:s0+$0x40]  }
0x114: {  	v29 =	vld [tilespmem:s0+$0x50]  }
0x115: {  	v30 =	vld [tilespmem:s0+$0x60]  }
0x116: {  	[tilespmem:v16+s23+$0x0] =	vst.idx.add.f32.msk $0xffff, v36  }
0x117: {  	[tilespmem:v17+s23+$0x0] =	vst.idx.add.f32.msk $0xffff, v31  }
0x118: {  	[tilespmem:v18+s23+$0x0] =	vst.idx.add.f32.msk $0xffff, v32  }
0x119: {  	[tilespmem:v19+s23+$0x0] =	vst.idx.add.f32.msk $0xffff, v33  }
0x11a: {  	[tilespmem:v20+s23+$0x0] =	vst.idx.add.f32.msk $0xffff, v34  }
0x11b: {  	[tilespmem:v21+s23+$0x0] =	vst.idx.add.f32.msk $0xffff, v35  }
0x11c: {  	[tilespmem:v22+s23+$0x0] =	vst.idx.add.f32.msk $0xffff, v37  }
0x11d: {  	[tilespmem:v23+s23+$0x0] =	vst.idx.add.f32.msk $0xffff, v38  }
0x11e: {  	[tilespmem:v24+s23+$0x0] =	vst.idx.add.f32.msk $0xffff, v39  }
0x11f: {  	[tilespmem:v25+s23+$0x0] =	vst.idx.add.f32.msk $0xffff, v40  }
0x120: {  	[tilespmem:v26+s23+$0x0] =	vst.idx.add.f32.msk $0xffff, v41  }
0x121: {  	[tilespmem:v27+s23+$0x0] =	vst.idx.add.f32.msk $0xffff, v42  }
0x122: {  	[tilespmem:v28+s23+$0x0] =	vst.idx.add.f32.msk $0xffff, v43  }
0x123: {  	[tilespmem:v29+s23+$0x0] =	vst.idx.add.f32.msk $0xffff, v44  }
0x124: {  	[tilespmem:v30+s23+$0x0] =	vst.idx.add.f32.msk $0xffff, v45  }
0x125: {  	v31 =	vld.idx.msk [tilespmem:v15+s14+$0x0], $0xffff  }
0x126: {  	v32 =	vld.idx.msk [tilespmem:v1+s14+$0x0], $0xffff  }
0x127: {  	v33 =	vld.idx.msk [tilespmem:v2+s14+$0x0], $0xffff  }
0x128: {  	v34 =	vld.idx.msk [tilespmem:v3+s14+$0x0], $0xffff  }
0x129: {  	v35 =	vld.idx.msk [tilespmem:v4+s14+$0x0], $0xffff  }
0x12a: {  	v36 =	vld.idx.msk [tilespmem:v5+s14+$0x0], $0xffff  }
0x12b: {  	v37 =	vld.idx.msk [tilespmem:v6+s14+$0x0], $0xffff  }
0x12c: {  	v38 =	vld.idx.msk [tilespmem:v7+s14+$0x0], $0xffff  }
0x12d: {  	v39 =	vld.idx.msk [tilespmem:v8+s14+$0x0], $0xffff  }
0x12e: {  	v40 =	vld.idx.msk [tilespmem:v9+s14+$0x0], $0xffff  }
0x12f: {  	v41 =	vld.idx.msk [tilespmem:v10+s14+$0x0], $0xffff  }
0x130: {  	v42 =	vld.idx.msk [tilespmem:v11+s14+$0x0], $0xffff  }
0x131: {  	v43 =	vld.idx.msk [tilespmem:v12+s14+$0x0], $0xffff  }
0x132: {  	v44 =	vld.idx.msk [tilespmem:v13+s14+$0x0], $0xffff  }
0x133: {  	v45 =	vld.idx.msk [tilespmem:v14+s14+$0x0], $0xffff  }
0x134: {  	[tilespmem:v16+s24+$0x0] =	vst.idx.add.f32.msk $0xffff, v31  }
0x135: {  	[tilespmem:v17+s24+$0x0] =	vst.idx.add.f32.msk $0xffff, v32  }
0x136: {  	[tilespmem:v18+s24+$0x0] =	vst.idx.add.f32.msk $0xffff, v33  }
0x137: {  	[tilespmem:v19+s24+$0x0] =	vst.idx.add.f32.msk $0xffff, v34  }
0x138: {  	[tilespmem:v20+s24+$0x0] =	vst.idx.add.f32.msk $0xffff, v35  }
0x139: {  	[tilespmem:v21+s24+$0x0] =	vst.idx.add.f32.msk $0xffff, v36  }
0x13a: {  	[tilespmem:v22+s24+$0x0] =	vst.idx.add.f32.msk $0xffff, v37  }
0x13b: {  	[tilespmem:v23+s24+$0x0] =	vst.idx.add.f32.msk $0xffff, v38  }
0x13c: {  	[tilespmem:v24+s24+$0x0] =	vst.idx.add.f32.msk $0xffff, v39  }
0x13d: {  	[tilespmem:v25+s24+$0x0] =	vst.idx.add.f32.msk $0xffff, v40  }
0x13e: {  	[tilespmem:v26+s24+$0x0] =	vst.idx.add.f32.msk $0xffff, v41  }
0x13f: {  	[tilespmem:v27+s24+$0x0] =	vst.idx.add.f32.msk $0xffff, v42  }
0x140: {  	[tilespmem:v28+s24+$0x0] =	vst.idx.add.f32.msk $0xffff, v43  }
0x141: {  	[tilespmem:v29+s24+$0x0] =	vst.idx.add.f32.msk $0xffff, v44  }
0x142: {  	[tilespmem:v30+s24+$0x0] =	vst.idx.add.f32.msk $0xffff, v45  }
0x143: {  	v31 =	vld.idx.msk [tilespmem:v15+s15+$0x0], $0xffff  }
0x144: {  	v32 =	vld.idx.msk [tilespmem:v1+s15+$0x0], $0xffff  }
0x145: {  	v33 =	vld.idx.msk [tilespmem:v2+s15+$0x0], $0xffff  }
0x146: {  	v34 =	vld.idx.msk [tilespmem:v3+s15+$0x0], $0xffff  }
0x147: {  	v35 =	vld.idx.msk [tilespmem:v4+s15+$0x0], $0xffff  }
0x148: {  	v36 =	vld.idx.msk [tilespmem:v5+s15+$0x0], $0xffff  }
0x149: {  	v37 =	vld.idx.msk [tilespmem:v6+s15+$0x0], $0xffff  }
0x14a: {  	v38 =	vld.idx.msk [tilespmem:v7+s15+$0x0], $0xffff  }
0x14b: {  	v39 =	vld.idx.msk [tilespmem:v8+s15+$0x0], $0xffff  }
0x14c: {  	v40 =	vld.idx.msk [tilespmem:v9+s15+$0x0], $0xffff  }
0x14d: {  	v41 =	vld.idx.msk [tilespmem:v10+s15+$0x0], $0xffff  }
0x14e: {  	v42 =	vld.idx.msk [tilespmem:v11+s15+$0x0], $0xffff  }
0x14f: {  	v43 =	vld.idx.msk [tilespmem:v12+s15+$0x0], $0xffff  }
0x150: {  	v44 =	vld.idx.msk [tilespmem:v13+s15+$0x0], $0xffff  }
0x151: {  	v45 =	vld.idx.msk [tilespmem:v14+s15+$0x0], $0xffff  }
0x152: {  	[tilespmem:v16+s25+$0x0] =	vst.idx.add.f32.msk $0xffff, v31  }
0x153: {  	[tilespmem:v17+s25+$0x0] =	vst.idx.add.f32.msk $0xffff, v32  }
0x154: {  	[tilespmem:v18+s25+$0x0] =	vst.idx.add.f32.msk $0xffff, v33  }
0x155: {  	[tilespmem:v19+s25+$0x0] =	vst.idx.add.f32.msk $0xffff, v34  }
0x156: {  	[tilespmem:v20+s25+$0x0] =	vst.idx.add.f32.msk $0xffff, v35  }
0x157: {  	[tilespmem:v21+s25+$0x0] =	vst.idx.add.f32.msk $0xffff, v36  }
0x158: {  	[tilespmem:v22+s25+$0x0] =	vst.idx.add.f32.msk $0xffff, v37  }
0x159: {  	[tilespmem:v23+s25+$0x0] =	vst.idx.add.f32.msk $0xffff, v38  }
0x15a: {  	[tilespmem:v24+s25+$0x0] =	vst.idx.add.f32.msk $0xffff, v39  }
0x15b: {  	[tilespmem:v25+s25+$0x0] =	vst.idx.add.f32.msk $0xffff, v40  }
0x15c: {  	[tilespmem:v26+s25+$0x0] =	vst.idx.add.f32.msk $0xffff, v41  }
0x15d: {  	[tilespmem:v27+s25+$0x0] =	vst.idx.add.f32.msk $0xffff, v42  }
0x15e: {  	[tilespmem:v28+s25+$0x0] =	vst.idx.add.f32.msk $0xffff, v43  }
0x15f: {  	[tilespmem:v29+s25+$0x0] =	vst.idx.add.f32.msk $0xffff, v44  }
0x160: {  	[tilespmem:v30+s25+$0x0] =	vst.idx.add.f32.msk $0xffff, v45  }
0x161: {  	v15 =	vld.idx.msk [tilespmem:v15+s16+$0x0], $0xffff  }
0x162: {  	v1 =	vld.idx.msk [tilespmem:v1+s16+$0x0], $0xffff  }
0x163: {  	v2 =	vld.idx.msk [tilespmem:v2+s16+$0x0], $0xffff  }
0x164: {  	v3 =	vld.idx.msk [tilespmem:v3+s16+$0x0], $0xffff  }
0x165: {  	v4 =	vld.idx.msk [tilespmem:v4+s16+$0x0], $0xffff  }
0x166: {  	v5 =	vld.idx.msk [tilespmem:v5+s16+$0x0], $0xffff  }
0x167: {  	v6 =	vld.idx.msk [tilespmem:v6+s16+$0x0], $0xffff  }
0x168: {  	v7 =	vld.idx.msk [tilespmem:v7+s16+$0x0], $0xffff  }
0x169: {  	v8 =	vld.idx.msk [tilespmem:v8+s16+$0x0], $0xffff  }
0x16a: {  	v9 =	vld.idx.msk [tilespmem:v9+s16+$0x0], $0xffff  }
0x16b: {  	v10 =	vld.idx.msk [tilespmem:v10+s16+$0x0], $0xffff  }
0x16c: {  	v11 =	vld.idx.msk [tilespmem:v11+s16+$0x0], $0xffff  }
0x16d: {  	v12 =	vld.idx.msk [tilespmem:v12+s16+$0x0], $0xffff  }
0x16e: {  	v13 =	vld.idx.msk [tilespmem:v13+s16+$0x0], $0xffff  }
0x16f: {  	v14 =	vld.idx.msk [tilespmem:v14+s16+$0x0], $0xffff  }
0x170: {  	[tilespmem:v16+s26+$0x0] =	vst.idx.add.f32.msk $0xffff, v15  }
0x171: {  	[tilespmem:v17+s26+$0x0] =	vst.idx.add.f32.msk $0xffff, v1  }
0x172: {  	[tilespmem:v18+s26+$0x0] =	vst.idx.add.f32.msk $0xffff, v2  }
0x173: {  	[tilespmem:v19+s26+$0x0] =	vst.idx.add.f32.msk $0xffff, v3  }
0x174: {  	[tilespmem:v20+s26+$0x0] =	vst.idx.add.f32.msk $0xffff, v4  }
0x175: {  	[tilespmem:v21+s26+$0x0] =	vst.idx.add.f32.msk $0xffff, v5  }
0x176: {  	[tilespmem:v22+s26+$0x0] =	vst.idx.add.f32.msk $0xffff, v6  }
0x177: {  	[tilespmem:v23+s26+$0x0] =	vst.idx.add.f32.msk $0xffff, v7  }
0x178: {  	[tilespmem:v24+s26+$0x0] =	vst.idx.add.f32.msk $0xffff, v8  }
0x179: {  	[tilespmem:v25+s26+$0x0] =	vst.idx.add.f32.msk $0xffff, v9  }
.Ltmp1:
0x17a: {  	[tilespmem:v26+s26+$0x0] =	vst.idx.add.f32.msk $0xffff, v10;
	(pc) =	sbr.rel @p0 .LBB2_5-.Ltmp1, $4  }
0x17b: {  	[tilespmem:v27+s26+$0x0] =	vst.idx.add.f32.msk $0xffff, v11  }
0x17c: {  	[tilespmem:v28+s26+$0x0] =	vst.idx.add.f32.msk $0xffff, v12  }
0x17d: {  	[tilespmem:v29+s26+$0x0] =	vst.idx.add.f32.msk $0xffff, v13  }
0x17e: {  	s6 =	sadd.s32 $0x100, s6;
	[tilespmem:v30+s26+$0x0] =	vst.idx.add.f32.msk $0xffff, v14  }
.LBB2_6:
0x17f: {  	s0 =	sshra.s32 s7, $0x2  }
0x180: {  	v1 =	vld [tilespmem:s0+$0x15B00];
	_ =	sdelay $0x4  }
0x181: {  	v2 =	vld [tilespmem:s0+$0x17A80];
	_ =	sdelay $0x2  }
0x182: {  	v3 =	vld.idx.msk [tilespmem:v1+s2+$0x0], $0xffff;
	_ =	sdelay $0x4  }
0x183: {  	[tilespmem:v2+s23+$0x0] =	vst.idx.add.f32.msk $0xffff, v3  }
0x184: {  	v3 =	vld.idx.msk [tilespmem:v1+s14+$0x0], $0xffff;
	_ =	sdelay $0x4  }
0x185: {  	[tilespmem:v2+s24+$0x0] =	vst.idx.add.f32.msk $0xffff, v3  }
0x186: {  	v3 =	vld.idx.msk [tilespmem:v1+s15+$0x0], $0xffff;
	_ =	sdelay $0x4  }
0x187: {  	[tilespmem:v2+s25+$0x0] =	vst.idx.add.f32.msk $0xffff, v3  }
0x188: {  	p0 =	sne.s32 s7, $0xC0;
	v1 =	vld.idx.msk [tilespmem:v1+s16+$0x0], $0xffff  }
.Ltmp2:
0x189: {  	_ = 	snop;
	(pc) =	sbr.rel @p0 .LBB2_6-.Ltmp2, $2  }
0x18a: {  	_ =	sdelay $0x2  }
0x18b: {  	s7 =	sadd.s32 $0x40, s7;
	[tilespmem:v2+s26+$0x0] =	vst.idx.add.f32.msk $0xffff, v1  }
0x18c: {  	s0 =	sshll.u32 s1, $0x1  }
0x18d: {  	s0 =	smin.u32 s0, $0x25  }
0x18e: {  	s0 =	smul.u32 $0x1F40, s0;
	_ =	sdelay $0x1  }
0x18f: {  	s0 =	sshrl.u32 s0, $0x3  }
0x190: {  	s0 =	sadd.s32 $0x7D0, s0  }
0x191: {  	s5 =	sadd.s32 s3, s0  }
0x192: {  	[tilespmem:s18], [sflag:$0x2] =	stream.linear.gather [hbm4b:s5+s2], $0x1F40, $0x38;
	[tilespmem:$0x1BA00] =	vst v63  }
0x193: {  	s0 =	sadd.s32 s4, s0  }
0x194: {  	[tilespmem:s19], [sflag:$0x2] =	stream.linear.gather [hbm4b:s0+s2], $0x1F40, $0x38;
	[tilespmem:$0x1BA00] =	vst v63  }
0x195: {  	_ =	swait.ge [sflag:s28], $0x1F40  }
0x196: {  	[sflag:s28] =	ssyncset.done $0x0  }
0x197: {  	[sflag:s28] =	ssyncadd.s32 $0xFFFFE0C0  }
0x198: {  	_ =	swait.ge [sflag:s28], $0x1F40  }
0x199: {  	[sflag:s28] =	ssyncset.done $0x0  }
0x19a: {  	s6 =	simm.s32 $0x17B80;
	[sflag:s28] =	ssyncadd.s32 $0xFFFFE0C0  }
0x19b: {  	v7 =	vld [tilespmem:s6+$0x70]  }
0x19c: {  	v1 =	vld [tilespmem:s6+$0xFFFFFF90]  }
0x19d: {  	v2 =	vld [tilespmem:s6+$0xFFFFFFA0]  }
0x19e: {  	v3 =	vld [tilespmem:s6+$0xFFFFFFB0]  }
0x19f: {  	v4 =	vld [tilespmem:s6+$0xFFFFFFC0]  }
0x1a0: {  	s5 =	simm.s32 $0x19B00;
	v5 =	vld [tilespmem:s6+$0xFFFFFFD0]  }
0x1a1: {  	v8 =	vld [tilespmem:s5+$0x70]  }
0x1a2: {  	v6 =	vld [tilespmem:s6+$0xFFFFFFE0]  }
0x1a3: {  	v10 =	vld [tilespmem:s6+$0xFFFFFFF0]  }
0x1a4: {  	v11 =	vld [tilespmem:s6+$0x0]  }
0x1a5: {  	v12 =	vld [tilespmem:s6+$0x10]  }
0x1a6: {  	v13 =	vld [tilespmem:s6+$0x20]  }
0x1a7: {  	v14 =	vld [tilespmem:s6+$0x30]  }
0x1a8: {  	v15 =	vld [tilespmem:s6+$0x40]  }
0x1a9: {  	v16 =	vld [tilespmem:s6+$0x50]  }
0x1aa: {  	v17 =	vld [tilespmem:s6+$0x60]  }
0x1ab: {  	v18 =	vld [tilespmem:s6+$0xFFFFFF80]  }
0x1ac: {  	v31 =	vld [tilespmem:s5+$0xFFFFFF80]  }
0x1ad: {  	v32 =	vld [tilespmem:s5+$0xFFFFFF90]  }
0x1ae: {  	v33 =	vld [tilespmem:s5+$0xFFFFFFA0]  }
0x1af: {  	v34 =	vld [tilespmem:s5+$0xFFFFFFB0]  }
0x1b0: {  	v35 =	vld [tilespmem:s5+$0xFFFFFFC0]  }
0x1b1: {  	v36 =	vld [tilespmem:s5+$0xFFFFFFD0]  }
0x1b2: {  	v37 =	vld [tilespmem:s5+$0xFFFFFFE0]  }
0x1b3: {  	v38 =	vld [tilespmem:s5+$0xFFFFFFF0]  }
0x1b4: {  	v39 =	vld [tilespmem:s5+$0x0]  }
0x1b5: {  	v40 =	vld [tilespmem:s5+$0x10]  }
0x1b6: {  	v41 =	vld [tilespmem:s5+$0x20]  }
0x1b7: {  	v42 =	vld [tilespmem:s5+$0x30]  }
0x1b8: {  	v43 =	vld [tilespmem:s5+$0x40]  }
0x1b9: {  	v44 =	vld [tilespmem:s5+$0x50]  }
0x1ba: {  	s0 =	simm.s32 $0x0;
	v45 =	vld [tilespmem:s5+$0x60]  }
0x1bb: {  	v9 =	vld.idx.msk [tilespmem:v7+s0+$0x0], $0xffff  }
0x1bc: {  	v19 =	vld.idx.msk [tilespmem:v1+s0+$0x0], $0xffff  }
0x1bd: {  	v20 =	vld.idx.msk [tilespmem:v2+s0+$0x0], $0xffff  }
0x1be: {  	v21 =	vld.idx.msk [tilespmem:v3+s0+$0x0], $0xffff  }
0x1bf: {  	v22 =	vld.idx.msk [tilespmem:v4+s0+$0x0], $0xffff  }
0x1c0: {  	v23 =	vld.idx.msk [tilespmem:v5+s0+$0x0], $0xffff  }
0x1c1: {  	v24 =	vld.idx.msk [tilespmem:v18+s0+$0x0], $0xffff  }
0x1c2: {  	v58 =	vld.idx.msk [tilespmem:v6+s0+$0x0], $0xffff  }
0x1c3: {  	v25 =	vld.idx.msk [tilespmem:v10+s0+$0x0], $0xffff  }
0x1c4: {  	v26 =	vld.idx.msk [tilespmem:v11+s0+$0x0], $0xffff  }
0x1c5: {  	v27 =	vld.idx.msk [tilespmem:v12+s0+$0x0], $0xffff  }
0x1c6: {  	v28 =	vld.idx.msk [tilespmem:v13+s0+$0x0], $0xffff  }
0x1c7: {  	v59 =	vld.idx.msk [tilespmem:v14+s0+$0x0], $0xffff  }
0x1c8: {  	v60 =	vld.idx.msk [tilespmem:v15+s0+$0x0], $0xffff  }
0x1c9: {  	v29 =	vld.idx.msk [tilespmem:v16+s0+$0x0], $0xffff  }
0x1ca: {  	v30 =	vld.idx.msk [tilespmem:v17+s0+$0x0], $0xffff  }
0x1cb: {  	[tilespmem:v8+s23+$0x0] =	vst.idx.add.f32.msk $0xffff, v9  }
0x1cc: {  	[tilespmem:v31+s23+$0x0] =	vst.idx.add.f32.msk $0xffff, v24  }
0x1cd: {  	[tilespmem:v32+s23+$0x0] =	vst.idx.add.f32.msk $0xffff, v19  }
0x1ce: {  	[tilespmem:v33+s23+$0x0] =	vst.idx.add.f32.msk $0xffff, v20  }
0x1cf: {  	[tilespmem:v34+s23+$0x0] =	vst.idx.add.f32.msk $0xffff, v21  }
0x1d0: {  	[tilespmem:v35+s23+$0x0] =	vst.idx.add.f32.msk $0xffff, v22  }
0x1d1: {  	[tilespmem:v36+s23+$0x0] =	vst.idx.add.f32.msk $0xffff, v23  }
0x1d2: {  	[tilespmem:v37+s23+$0x0] =	vst.idx.add.f32.msk $0xffff, v58  }
0x1d3: {  	[tilespmem:v38+s23+$0x0] =	vst.idx.add.f32.msk $0xffff, v25  }
0x1d4: {  	[tilespmem:v39+s23+$0x0] =	vst.idx.add.f32.msk $0xffff, v26  }
0x1d5: {  	[tilespmem:v40+s23+$0x0] =	vst.idx.add.f32.msk $0xffff, v27  }
0x1d6: {  	[tilespmem:v41+s23+$0x0] =	vst.idx.add.f32.msk $0xffff, v28  }
0x1d7: {  	[tilespmem:v42+s23+$0x0] =	vst.idx.add.f32.msk $0xffff, v59  }
0x1d8: {  	[tilespmem:v43+s23+$0x0] =	vst.idx.add.f32.msk $0xffff, v60  }
0x1d9: {  	[tilespmem:v44+s23+$0x0] =	vst.idx.add.f32.msk $0xffff, v29  }
0x1da: {  	[tilespmem:v45+s23+$0x0] =	vst.idx.add.f32.msk $0xffff, v30  }
0x1db: {  	v9 =	vld.idx.msk [tilespmem:v7+s14+$0x0], $0xffff  }
0x1dc: {  	v61 =	vld.idx.msk [tilespmem:v18+s14+$0x0], $0xffff  }
0x1dd: {  	v62 =	vld.idx.msk [tilespmem:v1+s14+$0x0], $0xffff  }
0x1de: {  	v63 =	vld.idx.msk [tilespmem:v2+s14+$0x0], $0xffff  }
0x1df: {  	v46 =	vld.idx.msk [tilespmem:v3+s14+$0x0], $0xffff  }
0x1e0: {  	v47 =	vld.idx.msk [tilespmem:v4+s14+$0x0], $0xffff  }
0x1e1: {  	v48 =	vld.idx.msk [tilespmem:v5+s14+$0x0], $0xffff  }
0x1e2: {  	v49 =	vld.idx.msk [tilespmem:v6+s14+$0x0], $0xffff  }
0x1e3: {  	v50 =	vld.idx.msk [tilespmem:v10+s14+$0x0], $0xffff  }
0x1e4: {  	v51 =	vld.idx.msk [tilespmem:v11+s14+$0x0], $0xffff  }
0x1e5: {  	v52 =	vld.idx.msk [tilespmem:v12+s14+$0x0], $0xffff  }
0x1e6: {  	v53 =	vld.idx.msk [tilespmem:v13+s14+$0x0], $0xffff  }
0x1e7: {  	v54 =	vld.idx.msk [tilespmem:v14+s14+$0x0], $0xffff  }
0x1e8: {  	v55 =	vld.idx.msk [tilespmem:v15+s14+$0x0], $0xffff  }
0x1e9: {  	v29 =	vld.idx.msk [tilespmem:v16+s14+$0x0], $0xffff  }
0x1ea: {  	v30 =	vld.idx.msk [tilespmem:v17+s14+$0x0], $0xffff  }
0x1eb: {  	[tilespmem:v8+s24+$0x0] =	vst.idx.add.f32.msk $0xffff, v9  }
0x1ec: {  	[tilespmem:v31+s24+$0x0] =	vst.idx.add.f32.msk $0xffff, v61  }
0x1ed: {  	[tilespmem:v32+s24+$0x0] =	vst.idx.add.f32.msk $0xffff, v62  }
0x1ee: {  	[tilespmem:v33+s24+$0x0] =	vst.idx.add.f32.msk $0xffff, v63  }
0x1ef: {  	[tilespmem:v34+s24+$0x0] =	vst.idx.add.f32.msk $0xffff, v46  }
0x1f0: {  	[tilespmem:v35+s24+$0x0] =	vst.idx.add.f32.msk $0xffff, v47  }
0x1f1: {  	[tilespmem:v36+s24+$0x0] =	vst.idx.add.f32.msk $0xffff, v48  }
0x1f2: {  	[tilespmem:v37+s24+$0x0] =	vst.idx.add.f32.msk $0xffff, v49  }
0x1f3: {  	[tilespmem:v38+s24+$0x0] =	vst.idx.add.f32.msk $0xffff, v50  }
0x1f4: {  	[tilespmem:v39+s24+$0x0] =	vst.idx.add.f32.msk $0xffff, v51  }
0x1f5: {  	[tilespmem:v40+s24+$0x0] =	vst.idx.add.f32.msk $0xffff, v52  }
0x1f6: {  	[tilespmem:v41+s24+$0x0] =	vst.idx.add.f32.msk $0xffff, v53  }
0x1f7: {  	[tilespmem:v42+s24+$0x0] =	vst.idx.add.f32.msk $0xffff, v54  }
0x1f8: {  	[tilespmem:v43+s24+$0x0] =	vst.idx.add.f32.msk $0xffff, v55  }
0x1f9: {  	[tilespmem:v44+s24+$0x0] =	vst.idx.add.f32.msk $0xffff, v29  }
0x1fa: {  	[tilespmem:v45+s24+$0x0] =	vst.idx.add.f32.msk $0xffff, v30  }
0x1fb: {  	v9 =	vld.idx.msk [tilespmem:v7+s15+$0x0], $0xffff  }
0x1fc: {  	v19 =	vld.idx.msk [tilespmem:v3+s15+$0x0], $0xffff  }
0x1fd: {  	v20 =	vld.idx.msk [tilespmem:v4+s15+$0x0], $0xffff  }
0x1fe: {  	v21 =	vld.idx.msk [tilespmem:v5+s15+$0x0], $0xffff  }
0x1ff: {  	v22 =	vld.idx.msk [tilespmem:v6+s15+$0x0], $0xffff  }
0x200: {  	v23 =	vld.idx.msk [tilespmem:v10+s15+$0x0], $0xffff  }
0x201: {  	v24 =	vld.idx.msk [tilespmem:v11+s15+$0x0], $0xffff  }
0x202: {  	v25 =	vld.idx.msk [tilespmem:v12+s15+$0x0], $0xffff  }
0x203: {  	v26 =	vld.idx.msk [tilespmem:v13+s15+$0x0], $0xffff  }
0x204: {  	v27 =	vld.idx.msk [tilespmem:v14+s15+$0x0], $0xffff  }
0x205: {  	v28 =	vld.idx.msk [tilespmem:v15+s15+$0x0], $0xffff  }
0x206: {  	v29 =	vld.idx.msk [tilespmem:v16+s15+$0x0], $0xffff  }
0x207: {  	v30 =	vld.idx.msk [tilespmem:v17+s15+$0x0], $0xffff  }
0x208: {  	[tilespmem:v8+s25+$0x0] =	vst.idx.add.f32.msk $0xffff, v9  }
0x209: {  	v9 =	vld.idx.msk [tilespmem:v2+s15+$0x0], $0xffff  }
0x20a: {  	[tilespmem:v34+s25+$0x0] =	vst.idx.add.f32.msk $0xffff, v19  }
0x20b: {  	[tilespmem:v35+s25+$0x0] =	vst.idx.add.f32.msk $0xffff, v20  }
0x20c: {  	[tilespmem:v36+s25+$0x0] =	vst.idx.add.f32.msk $0xffff, v21  }
0x20d: {  	[tilespmem:v37+s25+$0x0] =	vst.idx.add.f32.msk $0xffff, v22  }
0x20e: {  	[tilespmem:v38+s25+$0x0] =	vst.idx.add.f32.msk $0xffff, v23  }
0x20f: {  	[tilespmem:v39+s25+$0x0] =	vst.idx.add.f32.msk $0xffff, v24  }
0x210: {  	[tilespmem:v40+s25+$0x0] =	vst.idx.add.f32.msk $0xffff, v25  }
0x211: {  	[tilespmem:v41+s25+$0x0] =	vst.idx.add.f32.msk $0xffff, v26  }
0x212: {  	[tilespmem:v42+s25+$0x0] =	vst.idx.add.f32.msk $0xffff, v27  }
0x213: {  	[tilespmem:v43+s25+$0x0] =	vst.idx.add.f32.msk $0xffff, v28  }
0x214: {  	[tilespmem:v44+s25+$0x0] =	vst.idx.add.f32.msk $0xffff, v29  }
0x215: {  	[tilespmem:v45+s25+$0x0] =	vst.idx.add.f32.msk $0xffff, v30  }
0x216: {  	v7 =	vld.idx.msk [tilespmem:v7+s16+$0x0], $0xffff  }
0x217: {  	v3 =	vld.idx.msk [tilespmem:v3+s16+$0x0], $0xffff  }
0x218: {  	v4 =	vld.idx.msk [tilespmem:v4+s16+$0x0], $0xffff  }
0x219: {  	v5 =	vld.idx.msk [tilespmem:v5+s16+$0x0], $0xffff  }
0x21a: {  	v6 =	vld.idx.msk [tilespmem:v6+s16+$0x0], $0xffff  }
0x21b: {  	v56 =	vld.idx.msk [tilespmem:v10+s16+$0x0], $0xffff  }
0x21c: {  	v57 =	vld.idx.msk [tilespmem:v11+s16+$0x0], $0xffff  }
0x21d: {  	v58 =	vld.idx.msk [tilespmem:v12+s16+$0x0], $0xffff  }
0x21e: {  	v59 =	vld.idx.msk [tilespmem:v13+s16+$0x0], $0xffff  }
0x21f: {  	v60 =	vld.idx.msk [tilespmem:v14+s16+$0x0], $0xffff  }
0x220: {  	v61 =	vld.idx.msk [tilespmem:v15+s16+$0x0], $0xffff  }
0x221: {  	v62 =	vld.idx.msk [tilespmem:v16+s16+$0x0], $0xffff  }
0x222: {  	v63 =	vld.idx.msk [tilespmem:v17+s16+$0x0], $0xffff  }
0x223: {  	[tilespmem:v33+s25+$0x0] =	vst.idx.add.f32.msk $0xffff, v9  }
0x224: {  	[tilespmem:v8+s26+$0x0] =	vst.idx.add.f32.msk $0xffff, v7  }
0x225: {  	v7 =	vld.idx.msk [tilespmem:v18+s15+$0x0], $0xffff  }
0x226: {  	v8 =	vld.idx.msk [tilespmem:v1+s15+$0x0], $0xffff  }
0x227: {  	v2 =	vld.idx.msk [tilespmem:v2+s16+$0x0], $0xffff  }
0x228: {  	[tilespmem:v34+s26+$0x0] =	vst.idx.add.f32.msk $0xffff, v3  }
0x229: {  	[tilespmem:v35+s26+$0x0] =	vst.idx.add.f32.msk $0xffff, v4  }
0x22a: {  	[tilespmem:v36+s26+$0x0] =	vst.idx.add.f32.msk $0xffff, v5  }
0x22b: {  	[tilespmem:v37+s26+$0x0] =	vst.idx.add.f32.msk $0xffff, v6  }
0x22c: {  	[tilespmem:v38+s26+$0x0] =	vst.idx.add.f32.msk $0xffff, v56  }
0x22d: {  	[tilespmem:v39+s26+$0x0] =	vst.idx.add.f32.msk $0xffff, v57  }
0x22e: {  	[tilespmem:v40+s26+$0x0] =	vst.idx.add.f32.msk $0xffff, v58  }
0x22f: {  	[tilespmem:v41+s26+$0x0] =	vst.idx.add.f32.msk $0xffff, v59  }
0x230: {  	[tilespmem:v42+s26+$0x0] =	vst.idx.add.f32.msk $0xffff, v60  }
0x231: {  	[tilespmem:v43+s26+$0x0] =	vst.idx.add.f32.msk $0xffff, v61  }
0x232: {  	[tilespmem:v31+s25+$0x0] =	vst.idx.add.f32.msk $0xffff, v7  }
0x233: {  	[tilespmem:v32+s25+$0x0] =	vst.idx.add.f32.msk $0xffff, v8  }
0x234: {  	v7 =	vld.idx.msk [tilespmem:v18+s16+$0x0], $0xffff  }
0x235: {  	v1 =	vld.idx.msk [tilespmem:v1+s16+$0x0], $0xffff  }
0x236: {  	[tilespmem:v44+s26+$0x0] =	vst.idx.add.f32.msk $0xffff, v62  }
0x237: {  	[tilespmem:v45+s26+$0x0] =	vst.idx.add.f32.msk $0xffff, v63  }
0x238: {  	[tilespmem:v33+s26+$0x0] =	vst.idx.add.f32.msk $0xffff, v2  }
0x239: {  	[tilespmem:v31+s26+$0x0] =	vst.idx.add.f32.msk $0xffff, v7  }
0x23a: {  	s7 =	simm.s32 $0x17C80;
	s6 =	simm.s32 $0x0;
	[tilespmem:v32+s26+$0x0] =	vst.idx.add.f32.msk $0xffff, v1  }
.LBB2_8:
0x23b: {  	v16 =	vld [tilespmem:s7+$0x70];
	s6 =	sadd.s32 $0x10, s6  }
0x23c: {  	v1 =	vld [tilespmem:s7+$0xFFFFFF90];
	p0 =	slt.u32 s6, $0x1E0  }
0x23d: {  	v2 =	vld [tilespmem:s7+$0xFFFFFFA0]  }
0x23e: {  	v3 =	vld [tilespmem:s7+$0xFFFFFFB0]  }
0x23f: {  	v4 =	vld [tilespmem:s7+$0xFFFFFFC0]  }
0x240: {  	s5 =	sadd.s32 $0x100, s5;
	v5 =	vld [tilespmem:s7+$0xFFFFFFD0]  }
0x241: {  	v17 =	vld [tilespmem:s5+$0x70]  }
0x242: {  	v6 =	vld [tilespmem:s7+$0xFFFFFFE0]  }
0x243: {  	v12 =	vld.idx.msk [tilespmem:v16+s0+$0x0], $0xffff  }
0x244: {  	v7 =	vld [tilespmem:s7+$0xFFFFFFF0]  }
0x245: {  	v8 =	vld [tilespmem:s7+$0x0]  }
0x246: {  	v9 =	vld [tilespmem:s7+$0x10]  }
0x247: {  	v10 =	vld [tilespmem:s7+$0x20]  }
0x248: {  	v11 =	vld [tilespmem:s7+$0x30]  }
0x249: {  	[tilespmem:v17+s23+$0x0] =	vst.idx.add.f32.msk $0xffff, v12  }
0x24a: {  	v18 =	vld.idx.msk [tilespmem:v16+s14+$0x0], $0xffff  }
0x24b: {  	v12 =	vld [tilespmem:s7+$0x40]  }
0x24c: {  	v13 =	vld [tilespmem:s7+$0x50]  }
0x24d: {  	v14 =	vld [tilespmem:s7+$0x60]  }
0x24e: {  	v15 =	vld [tilespmem:s7+$0xFFFFFF80]  }
0x24f: {  	v31 =	vld.idx.msk [tilespmem:v1+s0+$0x0], $0xffff  }
0x250: {  	[tilespmem:v17+s24+$0x0] =	vst.idx.add.f32.msk $0xffff, v18  }
0x251: {  	v18 =	vld.idx.msk [tilespmem:v16+s15+$0x0], $0xffff  }
0x252: {  	v32 =	vld.idx.msk [tilespmem:v2+s0+$0x0], $0xffff  }
0x253: {  	v33 =	vld.idx.msk [tilespmem:v3+s0+$0x0], $0xffff  }
0x254: {  	v34 =	vld.idx.msk [tilespmem:v4+s0+$0x0], $0xffff  }
0x255: {  	v35 =	vld.idx.msk [tilespmem:v5+s0+$0x0], $0xffff  }
0x256: {  	v36 =	vld.idx.msk [tilespmem:v15+s0+$0x0], $0xffff  }
0x257: {  	[tilespmem:v17+s25+$0x0] =	vst.idx.add.f32.msk $0xffff, v18  }
0x258: {  	v16 =	vld.idx.msk [tilespmem:v16+s16+$0x0], $0xffff  }
0x259: {  	v37 =	vld.idx.msk [tilespmem:v6+s0+$0x0], $0xffff  }
0x25a: {  	v38 =	vld.idx.msk [tilespmem:v7+s0+$0x0], $0xffff  }
0x25b: {  	v39 =	vld.idx.msk [tilespmem:v8+s0+$0x0], $0xffff  }
0x25c: {  	v40 =	vld.idx.msk [tilespmem:v9+s0+$0x0], $0xffff  }
0x25d: {  	v41 =	vld.idx.msk [tilespmem:v10+s0+$0x0], $0xffff  }
0x25e: {  	[tilespmem:v17+s26+$0x0] =	vst.idx.add.f32.msk $0xffff, v16  }
0x25f: {  	v42 =	vld.idx.msk [tilespmem:v11+s0+$0x0], $0xffff  }
0x260: {  	v43 =	vld.idx.msk [tilespmem:v12+s0+$0x0], $0xffff  }
0x261: {  	v44 =	vld.idx.msk [tilespmem:v13+s0+$0x0], $0xffff  }
0x262: {  	v45 =	vld.idx.msk [tilespmem:v14+s0+$0x0], $0xffff  }
0x263: {  	v16 =	vld [tilespmem:s5+$0xFFFFFF80]  }
0x264: {  	v17 =	vld [tilespmem:s5+$0xFFFFFF90]  }
0x265: {  	v18 =	vld [tilespmem:s5+$0xFFFFFFA0]  }
0x266: {  	v19 =	vld [tilespmem:s5+$0xFFFFFFB0]  }
0x267: {  	v20 =	vld [tilespmem:s5+$0xFFFFFFC0]  }
0x268: {  	v21 =	vld [tilespmem:s5+$0xFFFFFFD0]  }
0x269: {  	v22 =	vld [tilespmem:s5+$0xFFFFFFE0]  }
0x26a: {  	v23 =	vld [tilespmem:s5+$0xFFFFFFF0]  }
0x26b: {  	v24 =	vld [tilespmem:s5+$0x0]  }
0x26c: {  	v25 =	vld [tilespmem:s5+$0x10]  }
0x26d: {  	v26 =	vld [tilespmem:s5+$0x20]  }
0x26e: {  	v27 =	vld [tilespmem:s5+$0x30]  }
0x26f: {  	v28 =	vld [tilespmem:s5+$0x40]  }
0x270: {  	v29 =	vld [tilespmem:s5+$0x50]  }
0x271: {  	v30 =	vld [tilespmem:s5+$0x60]  }
0x272: {  	[tilespmem:v16+s23+$0x0] =	vst.idx.add.f32.msk $0xffff, v36  }
0x273: {  	[tilespmem:v17+s23+$0x0] =	vst.idx.add.f32.msk $0xffff, v31  }
0x274: {  	[tilespmem:v18+s23+$0x0] =	vst.idx.add.f32.msk $0xffff, v32  }
0x275: {  	[tilespmem:v19+s23+$0x0] =	vst.idx.add.f32.msk $0xffff, v33  }
0x276: {  	[tilespmem:v20+s23+$0x0] =	vst.idx.add.f32.msk $0xffff, v34  }
0x277: {  	[tilespmem:v21+s23+$0x0] =	vst.idx.add.f32.msk $0xffff, v35  }
0x278: {  	[tilespmem:v22+s23+$0x0] =	vst.idx.add.f32.msk $0xffff, v37  }
0x279: {  	[tilespmem:v23+s23+$0x0] =	vst.idx.add.f32.msk $0xffff, v38  }
0x27a: {  	[tilespmem:v24+s23+$0x0] =	vst.idx.add.f32.msk $0xffff, v39  }
0x27b: {  	[tilespmem:v25+s23+$0x0] =	vst.idx.add.f32.msk $0xffff, v40  }
0x27c: {  	[tilespmem:v26+s23+$0x0] =	vst.idx.add.f32.msk $0xffff, v41  }
0x27d: {  	[tilespmem:v27+s23+$0x0] =	vst.idx.add.f32.msk $0xffff, v42  }
0x27e: {  	[tilespmem:v28+s23+$0x0] =	vst.idx.add.f32.msk $0xffff, v43  }
0x27f: {  	[tilespmem:v29+s23+$0x0] =	vst.idx.add.f32.msk $0xffff, v44  }
0x280: {  	[tilespmem:v30+s23+$0x0] =	vst.idx.add.f32.msk $0xffff, v45  }
0x281: {  	v31 =	vld.idx.msk [tilespmem:v15+s14+$0x0], $0xffff  }
0x282: {  	v32 =	vld.idx.msk [tilespmem:v1+s14+$0x0], $0xffff  }
0x283: {  	v33 =	vld.idx.msk [tilespmem:v2+s14+$0x0], $0xffff  }
0x284: {  	v34 =	vld.idx.msk [tilespmem:v3+s14+$0x0], $0xffff  }
0x285: {  	v35 =	vld.idx.msk [tilespmem:v4+s14+$0x0], $0xffff  }
0x286: {  	v36 =	vld.idx.msk [tilespmem:v5+s14+$0x0], $0xffff  }
0x287: {  	v37 =	vld.idx.msk [tilespmem:v6+s14+$0x0], $0xffff  }
0x288: {  	v38 =	vld.idx.msk [tilespmem:v7+s14+$0x0], $0xffff  }
0x289: {  	v39 =	vld.idx.msk [tilespmem:v8+s14+$0x0], $0xffff  }
0x28a: {  	v40 =	vld.idx.msk [tilespmem:v9+s14+$0x0], $0xffff  }
0x28b: {  	v41 =	vld.idx.msk [tilespmem:v10+s14+$0x0], $0xffff  }
0x28c: {  	v42 =	vld.idx.msk [tilespmem:v11+s14+$0x0], $0xffff  }
0x28d: {  	v43 =	vld.idx.msk [tilespmem:v12+s14+$0x0], $0xffff  }
0x28e: {  	v44 =	vld.idx.msk [tilespmem:v13+s14+$0x0], $0xffff  }
0x28f: {  	v45 =	vld.idx.msk [tilespmem:v14+s14+$0x0], $0xffff  }
0x290: {  	[tilespmem:v16+s24+$0x0] =	vst.idx.add.f32.msk $0xffff, v31  }
0x291: {  	[tilespmem:v17+s24+$0x0] =	vst.idx.add.f32.msk $0xffff, v32  }
0x292: {  	[tilespmem:v18+s24+$0x0] =	vst.idx.add.f32.msk $0xffff, v33  }
0x293: {  	[tilespmem:v19+s24+$0x0] =	vst.idx.add.f32.msk $0xffff, v34  }
0x294: {  	[tilespmem:v20+s24+$0x0] =	vst.idx.add.f32.msk $0xffff, v35  }
0x295: {  	[tilespmem:v21+s24+$0x0] =	vst.idx.add.f32.msk $0xffff, v36  }
0x296: {  	[tilespmem:v22+s24+$0x0] =	vst.idx.add.f32.msk $0xffff, v37  }
0x297: {  	[tilespmem:v23+s24+$0x0] =	vst.idx.add.f32.msk $0xffff, v38  }
0x298: {  	[tilespmem:v24+s24+$0x0] =	vst.idx.add.f32.msk $0xffff, v39  }
0x299: {  	[tilespmem:v25+s24+$0x0] =	vst.idx.add.f32.msk $0xffff, v40  }
0x29a: {  	[tilespmem:v26+s24+$0x0] =	vst.idx.add.f32.msk $0xffff, v41  }
0x29b: {  	[tilespmem:v27+s24+$0x0] =	vst.idx.add.f32.msk $0xffff, v42  }
0x29c: {  	[tilespmem:v28+s24+$0x0] =	vst.idx.add.f32.msk $0xffff, v43  }
0x29d: {  	[tilespmem:v29+s24+$0x0] =	vst.idx.add.f32.msk $0xffff, v44  }
0x29e: {  	[tilespmem:v30+s24+$0x0] =	vst.idx.add.f32.msk $0xffff, v45  }
0x29f: {  	v31 =	vld.idx.msk [tilespmem:v15+s15+$0x0], $0xffff  }
0x2a0: {  	v32 =	vld.idx.msk [tilespmem:v1+s15+$0x0], $0xffff  }
0x2a1: {  	v33 =	vld.idx.msk [tilespmem:v2+s15+$0x0], $0xffff  }
0x2a2: {  	v34 =	vld.idx.msk [tilespmem:v3+s15+$0x0], $0xffff  }
0x2a3: {  	v35 =	vld.idx.msk [tilespmem:v4+s15+$0x0], $0xffff  }
0x2a4: {  	v36 =	vld.idx.msk [tilespmem:v5+s15+$0x0], $0xffff  }
0x2a5: {  	v37 =	vld.idx.msk [tilespmem:v6+s15+$0x0], $0xffff  }
0x2a6: {  	v38 =	vld.idx.msk [tilespmem:v7+s15+$0x0], $0xffff  }
0x2a7: {  	v39 =	vld.idx.msk [tilespmem:v8+s15+$0x0], $0xffff  }
0x2a8: {  	v40 =	vld.idx.msk [tilespmem:v9+s15+$0x0], $0xffff  }
0x2a9: {  	v41 =	vld.idx.msk [tilespmem:v10+s15+$0x0], $0xffff  }
0x2aa: {  	v42 =	vld.idx.msk [tilespmem:v11+s15+$0x0], $0xffff  }
0x2ab: {  	v43 =	vld.idx.msk [tilespmem:v12+s15+$0x0], $0xffff  }
0x2ac: {  	v44 =	vld.idx.msk [tilespmem:v13+s15+$0x0], $0xffff  }
0x2ad: {  	v45 =	vld.idx.msk [tilespmem:v14+s15+$0x0], $0xffff  }
0x2ae: {  	[tilespmem:v16+s25+$0x0] =	vst.idx.add.f32.msk $0xffff, v31  }
0x2af: {  	[tilespmem:v17+s25+$0x0] =	vst.idx.add.f32.msk $0xffff, v32  }
0x2b0: {  	[tilespmem:v18+s25+$0x0] =	vst.idx.add.f32.msk $0xffff, v33  }
0x2b1: {  	[tilespmem:v19+s25+$0x0] =	vst.idx.add.f32.msk $0xffff, v34  }
0x2b2: {  	[tilespmem:v20+s25+$0x0] =	vst.idx.add.f32.msk $0xffff, v35  }
0x2b3: {  	[tilespmem:v21+s25+$0x0] =	vst.idx.add.f32.msk $0xffff, v36  }
0x2b4: {  	[tilespmem:v22+s25+$0x0] =	vst.idx.add.f32.msk $0xffff, v37  }
0x2b5: {  	[tilespmem:v23+s25+$0x0] =	vst.idx.add.f32.msk $0xffff, v38  }
0x2b6: {  	[tilespmem:v24+s25+$0x0] =	vst.idx.add.f32.msk $0xffff, v39  }
0x2b7: {  	[tilespmem:v25+s25+$0x0] =	vst.idx.add.f32.msk $0xffff, v40  }
0x2b8: {  	[tilespmem:v26+s25+$0x0] =	vst.idx.add.f32.msk $0xffff, v41  }
0x2b9: {  	[tilespmem:v27+s25+$0x0] =	vst.idx.add.f32.msk $0xffff, v42  }
0x2ba: {  	[tilespmem:v28+s25+$0x0] =	vst.idx.add.f32.msk $0xffff, v43  }
0x2bb: {  	[tilespmem:v29+s25+$0x0] =	vst.idx.add.f32.msk $0xffff, v44  }
0x2bc: {  	[tilespmem:v30+s25+$0x0] =	vst.idx.add.f32.msk $0xffff, v45  }
0x2bd: {  	v15 =	vld.idx.msk [tilespmem:v15+s16+$0x0], $0xffff  }
0x2be: {  	v1 =	vld.idx.msk [tilespmem:v1+s16+$0x0], $0xffff  }
0x2bf: {  	v2 =	vld.idx.msk [tilespmem:v2+s16+$0x0], $0xffff  }
0x2c0: {  	v3 =	vld.idx.msk [tilespmem:v3+s16+$0x0], $0xffff  }
0x2c1: {  	v4 =	vld.idx.msk [tilespmem:v4+s16+$0x0], $0xffff  }
0x2c2: {  	v5 =	vld.idx.msk [tilespmem:v5+s16+$0x0], $0xffff  }
0x2c3: {  	v6 =	vld.idx.msk [tilespmem:v6+s16+$0x0], $0xffff  }
0x2c4: {  	v7 =	vld.idx.msk [tilespmem:v7+s16+$0x0], $0xffff  }
0x2c5: {  	v8 =	vld.idx.msk [tilespmem:v8+s16+$0x0], $0xffff  }
0x2c6: {  	v9 =	vld.idx.msk [tilespmem:v9+s16+$0x0], $0xffff  }
0x2c7: {  	v10 =	vld.idx.msk [tilespmem:v10+s16+$0x0], $0xffff  }
0x2c8: {  	v11 =	vld.idx.msk [tilespmem:v11+s16+$0x0], $0xffff  }
0x2c9: {  	v12 =	vld.idx.msk [tilespmem:v12+s16+$0x0], $0xffff  }
0x2ca: {  	v13 =	vld.idx.msk [tilespmem:v13+s16+$0x0], $0xffff  }
0x2cb: {  	v14 =	vld.idx.msk [tilespmem:v14+s16+$0x0], $0xffff  }
0x2cc: {  	[tilespmem:v16+s26+$0x0] =	vst.idx.add.f32.msk $0xffff, v15  }
0x2cd: {  	[tilespmem:v17+s26+$0x0] =	vst.idx.add.f32.msk $0xffff, v1  }
0x2ce: {  	[tilespmem:v18+s26+$0x0] =	vst.idx.add.f32.msk $0xffff, v2  }
0x2cf: {  	[tilespmem:v19+s26+$0x0] =	vst.idx.add.f32.msk $0xffff, v3  }
0x2d0: {  	[tilespmem:v20+s26+$0x0] =	vst.idx.add.f32.msk $0xffff, v4  }
0x2d1: {  	[tilespmem:v21+s26+$0x0] =	vst.idx.add.f32.msk $0xffff, v5  }
0x2d2: {  	[tilespmem:v22+s26+$0x0] =	vst.idx.add.f32.msk $0xffff, v6  }
0x2d3: {  	[tilespmem:v23+s26+$0x0] =	vst.idx.add.f32.msk $0xffff, v7  }
0x2d4: {  	[tilespmem:v24+s26+$0x0] =	vst.idx.add.f32.msk $0xffff, v8  }
0x2d5: {  	[tilespmem:v25+s26+$0x0] =	vst.idx.add.f32.msk $0xffff, v9  }
.Ltmp3:
0x2d6: {  	[tilespmem:v26+s26+$0x0] =	vst.idx.add.f32.msk $0xffff, v10;
	(pc) =	sbr.rel @p0 .LBB2_8-.Ltmp3, $4  }
0x2d7: {  	[tilespmem:v27+s26+$0x0] =	vst.idx.add.f32.msk $0xffff, v11  }
0x2d8: {  	[tilespmem:v28+s26+$0x0] =	vst.idx.add.f32.msk $0xffff, v12  }
0x2d9: {  	[tilespmem:v29+s26+$0x0] =	vst.idx.add.f32.msk $0xffff, v13  }
0x2da: {  	s7 =	sadd.s32 $0x100, s7;
	[tilespmem:v30+s26+$0x0] =	vst.idx.add.f32.msk $0xffff, v14  }
.LBB2_9:
0x2db: {  	s5 =	sshra.s32 s0, $0x2  }
0x2dc: {  	v1 =	vld [tilespmem:s5+$0x19A00];
	_ =	sdelay $0x4  }
0x2dd: {  	v2 =	vld [tilespmem:s5+$0x1B980];
	_ =	sdelay $0x2  }
0x2de: {  	v3 =	vld.idx.msk [tilespmem:v1+s2+$0x0], $0xffff;
	_ =	sdelay $0x4  }
0x2df: {  	[tilespmem:v2+s23+$0x0] =	vst.idx.add.f32.msk $0xffff, v3  }
0x2e0: {  	v3 =	vld.idx.msk [tilespmem:v1+s14+$0x0], $0xffff;
	_ =	sdelay $0x4  }
0x2e1: {  	[tilespmem:v2+s24+$0x0] =	vst.idx.add.f32.msk $0xffff, v3  }
0x2e2: {  	v3 =	vld.idx.msk [tilespmem:v1+s15+$0x0], $0xffff;
	_ =	sdelay $0x4  }
0x2e3: {  	[tilespmem:v2+s25+$0x0] =	vst.idx.add.f32.msk $0xffff, v3  }
0x2e4: {  	p0 =	sne.s32 s0, $0xC0;
	v1 =	vld.idx.msk [tilespmem:v1+s16+$0x0], $0xffff  }
.Ltmp4:
0x2e5: {  	_ = 	snop;
	(pc) =	sbr.rel @p0 .LBB2_9-.Ltmp4, $2  }
0x2e6: {  	_ =	sdelay $0x2  }
0x2e7: {  	s0 =	sadd.s32 $0x40, s0;
	[tilespmem:v2+s26+$0x0] =	vst.idx.add.f32.msk $0xffff, v1  }
0x2e8: {  	s1 =	sadd.s32 $0x1, s1  }
0x2e9: {  	p0 =	sne.s32 s1, $0x14  }
.Ltmp5:
0x2ea: {  	_ = 	snop;
	(pc) =	sbr.rel @p0 .LBB2_4-.Ltmp5, $1  }
0x2eb: {  	_ =	sdelay $0x3  }
0x2ec: {  	_ =	swait.ge [sflag:s22], $0x1F40  }
0x2ed: {  	[sflag:s22] =	ssyncset.done $0x0  }
0x2ee: {  	[sflag:s22] =	ssyncadd.s32 $0xFFFFE0C0  }
0x2ef: {  	_ =	swait.ge [sflag:s22], $0x1F40  }
0x2f0: {  	[sflag:s22] =	ssyncset.done $0x0  }
0x2f1: {  	[sflag:s22] =	ssyncadd.s32 $0xFFFFE0C0  }
0x2f2: {  	[hbm4b:s9+s2] =	stream.linear.scatter [tilespmem:s23], [sflag:$0x4], $0x2710, $0x38;
	[tilespmem:$0x1BA00] =	vst v63  }
0x2f3: {  	_ =	swait.ge [sflag:s29], $0x2710  }
0x2f4: {  	[sflag:s29] =	ssyncset.done $0x0  }
0x2f5: {  	[sflag:s29] =	ssyncadd.s32 $0xFFFFD8F0  }
0x2f6: {  	[hbm4b:s10+s2] =	stream.linear.scatter [tilespmem:s24], [sflag:$0x4], $0x2710, $0x38;
	[tilespmem:$0x1BA00] =	vst v63  }
0x2f7: {  	_ =	swait.ge [sflag:s29], $0x2710  }
0x2f8: {  	[sflag:s29] =	ssyncset.done $0x0  }
0x2f9: {  	[sflag:s29] =	ssyncadd.s32 $0xFFFFD8F0  }
0x2fa: {  	[hbm4b:s11+s2] =	stream.linear.scatter [tilespmem:s25], [sflag:$0x4], $0x2710, $0x38;
	[tilespmem:$0x1BA00] =	vst v63  }
0x2fb: {  	s30 =	sadd.s32 $0x1, s30;
	_ =	swait.ge [sflag:s29], $0x2710  }
0x2fc: {  	p0 =	sne.s32 s30, s13;
	[sflag:s29] =	ssyncset.done $0x0  }
.Ltmp6:
0x2fd: {  	[sflag:s29] =	ssyncadd.s32 $0xFFFFD8F0;
	(pc) =	sbr.rel @p0 .LBB2_1-.Ltmp6, $4  }
0x2fe: {  	[hbm4b:s12+s2] =	stream.linear.scatter [tilespmem:s26], [sflag:$0x4], $0x2710, $0x38;
	[tilespmem:$0x1BA00] =	vst v63  }
0x2ff: {  	_ =	swait.ge [sflag:s29], $0x2710  }
0x300: {  	[sflag:s29] =	ssyncset.done $0x0  }
0x301: {  	[sflag:s29] =	ssyncadd.s32 $0xFFFFD8F0  }
0x302: {  	_ =	sfence.sel $0x180000  }
0x303: {  	[bflag:$0x0] =	sbarrier.arrive $0xFFFF  }
0x304: {  	_ =	strace $0x90000047  }
0x305: {  	s0 =	stileid.u32;
	[bflag:$0x2] =	sbarrier.arrive $0xFFFF  }
0x306: {  	p0 =	sne.s32 s0, $0x0;
	s0 =	rddreg [dreg:$0x2]  }
0x307: {  	s0 =	sadd.s32 @!p0 $0x100000, s0  }
0x308: {  	[sflag:s0] =	ssyncadd.tile.s32 @!p0 $0x1;
	_ =	shalt  }
.Lfunc_end2:
_tile_overlayer_lowered:
.L_overlay_start_2:
0x309: {  	(tag) =	ssettag $0x2  }
0x30a: {  	s0 =	rddreg [dreg:$0x0];
	s2 =	stileid.u32  }
0x30b: {  	s1 =	rddreg [dreg:$0x1];
	p0 =	sne.s32 s2, $0x0  }
0x30c: {  	s3 =	rddreg [dreg:$0x2];
	[bflag:$0x3] =	sbarrier.arrive $0xFFFF;
	s2 =	simm.s32 @!p0 $0x1C04  }
0x30d: {  	[timem:s3], [sflag:s2] =	dma.local @!p0 [hbm:s0], s1  }
0x30e: {  	s0 =	simm.s32 @!p0 $0x4  }
0x30f: {  	_ =	swait.ge @!p0 [sflag:s0], s1  }
0x310: {  	s1 =	ssub.s32 @!p0 $0x0, s1;
	[sflag:s0] =	ssyncset.done @!p0 $0x0  }
0x311: {  	[sflag:s0] =	ssyncadd.s32 @!p0 s1  }
0x312: {  	[bflag:$0x3] =	sbarrier.arrive $0xFFFF  }
0x313: {  	_ =	shalt  }

</sc_bundles>
